<compile_context>
chip_gen: v7x
topology: tpu7x:2x2x1
jax: 0.10.2.dev20260603
libtpu: 0.0.44.dev20260713+nightly
codegen_flags: <defaults>
</compile_context>

<pallas_src>
import jax
import jax.numpy as jnp
from jax import lax
from jax.experimental import pallas as pl
from jax.experimental.pallas import tpu as pltpu
from jax.experimental.pallas import tpu_sc as plsc

NC = 2
NS = 16
LANES = 16
NW = NC * NS
K = 128
BLK = 256


def _mesh():
    return plsc.VectorSubcoreMesh(core_axis_name="c", subcore_axis_name="s",
                                  num_cores=NC, num_subcores=NS)


def _sc_degree(dst_p, npad, nch):
    rt = npad // NS

    def run(dst_p):
        @pl.kernel(
            out_type=jax.ShapeDtypeStruct((NC, npad, LANES), jnp.float32),
            mesh=_mesh(),
            scratch_types=[
                pltpu.VMEM((nch, K), jnp.int32),
                pltpu.VMEM((K, LANES), jnp.float32),
                pltpu.VMEM_SHARED((npad, LANES), jnp.float32),
            ],
        )
        def deg_kernel(dst_hbm, out_hbm, idx_v, ones_v, acc_sh):
            c = lax.axis_index("c")
            s = lax.axis_index("s")
            wid = c * NS + s
            pltpu.sync_copy(dst_hbm.at[wid], idx_v)

            @pl.loop(0, K)
            def _(r):
                ones_v[pl.ds(r, 1), pl.ds(0, LANES)] = jnp.zeros(
                    (1, LANES), jnp.float32)

            @pl.loop(0, rt, step=K)
            def _(r0):
                pltpu.sync_copy(ones_v, acc_sh.at[pl.ds(s * rt + r0, K)])

            @pl.loop(0, K)
            def _(r):
                ones_v[pl.ds(r, 1), pl.ds(0, LANES)] = jnp.ones(
                    (1, LANES), jnp.float32)

            plsc.subcore_barrier()

            @plsc.parallel_loop(0, nch, 1, unroll=2)
            def _(j):
                pltpu.sync_copy(ones_v, acc_sh.at[idx_v.at[j]], add=True)

            plsc.subcore_barrier()

            pltpu.sync_copy(acc_sh.at[pl.ds(s * rt, rt)],
                            out_hbm.at[c, pl.ds(s * rt, rt)])

        return deg_kernel(dst_p)

    return run(dst_p)


def _sc_aggregate(g, src_p, dst_p, npad, nch, d):
    rt = npad // NS

    def run(g, src_p, dst_p):
        @pl.kernel(
            out_type=jax.ShapeDtypeStruct((NC, npad, d), jnp.float32),
            mesh=_mesh(),
            scratch_types=[
                pltpu.VMEM((nch, K), jnp.int32),
                pltpu.VMEM((nch, K), jnp.int32),
                pltpu.VMEM((K, d), jnp.float32),
                pltpu.VMEM_SHARED((npad, d), jnp.float32),
            ],
        )
        def msg_kernel(g_hbm, src_hbm, dst_hbm, out_hbm,
                       dst_v, src_v, ra, acc_sh):
            c = lax.axis_index("c")
            s = lax.axis_index("s")
            wid = c * NS + s
            pltpu.sync_copy(dst_hbm.at[wid], dst_v)
            pltpu.sync_copy(src_hbm.at[wid], src_v)

            @pl.loop(0, K)
            def _(r):
                @pl.loop(0, d, step=LANES)
                def _(c0):
                    ra[pl.ds(r, 1), pl.ds(c0, LANES)] = jnp.zeros(
                        (1, LANES), jnp.float32)

            @pl.loop(0, rt, step=K)
            def _(r0):
                pltpu.sync_copy(ra, acc_sh.at[pl.ds(s * rt + r0, K)])

            plsc.subcore_barrier()

            @pl.loop(0, nch)
            def _(j):
                pltpu.sync_copy(g_hbm.at[src_v.at[j]], ra)
                pltpu.sync_copy(ra, acc_sh.at[dst_v.at[j]], add=True)

            plsc.subcore_barrier()

            pltpu.sync_copy(acc_sh.at[pl.ds(s * rt, rt)],
                            out_hbm.at[c, pl.ds(s * rt, rt)])

        return msg_kernel(g, src_p, dst_p)

    return run(g, src_p, dst_p)


def _deg_dinv(degp_blk):
    deg = jnp.sum(degp_blk, axis=0)
    deg = jnp.sum(deg, axis=1) * (1.0 / LANES) + 1.0
    return lax.rsqrt(deg)


def _tc_linear(x, w, deg_p, npad, d):
    n = x.shape[0]

    def body(x_ref, w_ref, degp_ref, g_ref):
        dinv = _deg_dinv(degp_ref[...])[:n]
        h = jnp.dot(x_ref[...], w_ref[...],
                    preferred_element_type=jnp.float32)
        g_ref[pl.ds(0, n)] = h * dinv[:, None]
        g_ref[pl.ds(n, npad - n)] = jnp.zeros((npad - n, d), jnp.float32)

    return pl.pallas_call(
        body,
        out_shape=jax.ShapeDtypeStruct((npad, d), jnp.float32),
    )(x, w, deg_p)


def _tc_final(msg_p, g, deg_p, b2, n, d):
    def body(msgp_ref, g_ref, degp_ref, b_ref, o_ref):
        dinv = _deg_dinv(degp_ref[...])[:n]
        tot = (msgp_ref[0, pl.ds(0, n)] + msgp_ref[1, pl.ds(0, n)]
               + g_ref[pl.ds(0, n)])
        o_ref[...] = jnp.maximum(tot * dinv[:, None] + b_ref[...], 0.0)

    return pl.pallas_call(
        body,
        out_shape=jax.ShapeDtypeStruct((n, d), jnp.float32),
    )(msg_p, g, deg_p, b2)


def kernel(x, edge_index, W, b):
    n, d = x.shape
    e = edge_index.shape[1]

    npad = -(-n // BLK) * BLK
    if npad == n:
        npad += BLK
    ew_real = e // NW
    ew = -(-ew_real // K) * K
    nch = ew // K
    padw = ew - ew_real
    npr = npad - n

    src = edge_index[0].reshape(NW, ew_real).astype(jnp.int32)
    dst = edge_index[1].reshape(NW, ew_real).astype(jnp.int32)
    if padw:
        offs = (jnp.arange(padw)[None, :]
                + (npr // NW) * jnp.arange(NW)[:, None]) % npr
        pad_idx = (n + offs).astype(jnp.int32)
        src = jnp.concatenate([src, pad_idx], axis=1)
        dst = jnp.concatenate([dst, pad_idx], axis=1)
    src_p = src.reshape(NW, nch, K)
    dst_p = dst.reshape(NW, nch, K)

    deg_p = _sc_degree(dst_p, npad, nch)
    g = _tc_linear(x, W, deg_p, npad, d)
    msg_p = _sc_aggregate(g, src_p, dst_p, npad, nch, d)
    return _tc_final(msg_p, g, deg_p, b.reshape(1, d), n, d)

# --- scband reference (transcript-rebuilt; emitter-appended) ---
"""Pipeline reference for scband-gcnencoder1-14705968022273 (READ-ONLY COPY).

The authoritative reference and input builder live on the scoring server;
editing this copy changes nothing except your own understanding.
"""

import jax, jax.numpy as jnp
import numpy as np

N = 10000
E = 320000
D = 128


def setup_inputs(seed: int = 0) -> dict:
    key = jax.random.key(seed)
    k1, k2, k3, k4 = jax.random.split(key, 4)
    x = jax.random.normal(k1, (N, D), dtype=jnp.float32)
    edge_index = jax.random.randint(k2, (2, E), 0, N, dtype=jnp.int32)
    # GCNConv linear weight (Glorot-style init) and bias
    W = jax.random.normal(k3, (D, D), dtype=jnp.float32) * (1.0 / np.sqrt(D))
    b = jnp.zeros((D,), dtype=jnp.float32)
    return {"x": x, "edge_index": edge_index, "W": W, "b": b}


def reference(x, edge_index, W, b):
    # GCNEncoder1.forward: dropout(p=0.0) -> GCNConv -> relu
    # GCNConv: add self-loops, symmetric normalization deg^{-1/2} A_hat deg^{-1/2}, x @ W, aggregate, + bias
    src = edge_index[0]
    dst = edge_index[1]
    loop = jnp.arange(N, dtype=src.dtype)
    src = jnp.concatenate([src, loop])
    dst = jnp.concatenate([dst, loop])
    # degree computed on destination nodes (includes self-loops)
    deg = jnp.zeros((N,), dtype=jnp.float32).at[dst].add(1.0)
    deg_inv_sqrt = 1.0 / jnp.sqrt(jnp.clip(deg, 1.0))
    norm = deg_inv_sqrt[src] * deg_inv_sqrt[dst]
    # linear transform then gather / scatter-add aggregation
    h = x @ W
    msg = h[src] * norm[:, None]
    out = jax.ops.segment_sum(msg, dst, num_segments=N)
    out = out + b
    return jax.nn.relu(out)

if __name__ == "__main__":
    import jax
    _d = setup_inputs()
    print(jax.jit(kernel)(*tuple(_d.values())))

</pallas_src>

<mosaic_0001>
#map = affine_map<(d0, d1) -> (0, 0)>
#map1 = affine_map<(d0, d1) -> (0, 0, 0)>
module attributes {stable_mosaic.version = 14 : i64} {
  func.func @msg_kernel(%arg0: i32, %arg1: i32, %arg2: memref<10240x128xf32, #tpu.memory_space<hbm>>, %arg3: memref<32x79x128xi32, #tpu.memory_space<hbm>>, %arg4: memref<32x79x128xi32, #tpu.memory_space<hbm>>, %arg5: memref<2x10240x128xf32, #tpu.memory_space<hbm>>, %arg6: memref<79x128xi32, #tpu.memory_space<vmem>>, %arg7: memref<79x128xi32, #tpu.memory_space<vmem>>, %arg8: memref<128x128xf32, #tpu.memory_space<vmem>>, %arg9: memref<10240x128xf32, #tpu.memory_space<vmem_shared>>) attributes {dimension_semantics = [#tpu.dimension_semantics<core_parallel>, #tpu.dimension_semantics<subcore_parallel>], iteration_bounds = array<i64: 2, 16>, scalar_prefetch = 0 : i64, scratch_operands = 4 : i64, tpu.core_type = #tpu.core_type<sc_vector_subcore>, window_params = [{transform_indices = #map}, {transform_indices = #map1}, {transform_indices = #map1}, {transform_indices = #map1}]} {
    %mul3A = arith.constant 16 : i32
    %mul3A_0 = arith.muli %arg0, %mul3A : i32
    %add3A = arith.addi %mul3A_0, %arg1 : i32
    "tpu.region"() ({
      %run_scoped3A = tpu.sem_alloc : memref<!tpu.dma_semaphore, #tpu.memory_space<semaphore_mem>>
      %dma_start3A = arith.constant 0 : i32
      %dma_start3A_20 = arith.constant 0 : i32
      %dma_start3A_21 = tpu.memref_slice %arg4[%add3A, %dma_start3A, %dma_start3A_20] : memref<32x79x128xi32, #tpu.memory_space<hbm>> -> memref<1x79x128xi32, #tpu.memory_space<hbm>>
      %dma_start3A_22 = tpu.memref_squeeze %dma_start3A_21 : memref<1x79x128xi32, #tpu.memory_space<hbm>> -> memref<79x128xi32, #tpu.memory_space<hbm>>
      %dma_start3A_23 = arith.constant 0 : i32
      %dma_start3A_24 = arith.constant 0 : i32
      %dma_start3A_25 = tpu.memref_slice %arg4[%add3A, %dma_start3A_23, %dma_start3A_24] : memref<32x79x128xi32, #tpu.memory_space<hbm>> -> memref<1x79x128xi32, #tpu.memory_space<hbm>>
      %dma_start3A_26 = tpu.memref_squeeze %dma_start3A_25 : memref<1x79x128xi32, #tpu.memory_space<hbm>> -> memref<79x128xi32, #tpu.memory_space<hbm>>
      tpu.enqueue_dma source(%dma_start3A_26 : memref<79x128xi32, #tpu.memory_space<hbm>>) target(%arg6 : memref<79x128xi32, #tpu.memory_space<vmem>>) target_semaphore(%run_scoped3A : memref<!tpu.dma_semaphore, #tpu.memory_space<semaphore_mem>>)
      %dma_wait3A = arith.constant 0 : i32
      %dma_wait3A_27 = arith.constant 0 : i32
      %dma_wait3A_28 = tpu.memref_slice %arg4[%add3A, %dma_wait3A, %dma_wait3A_27] : memref<32x79x128xi32, #tpu.memory_space<hbm>> -> memref<1x79x128xi32, #tpu.memory_space<hbm>>
      %dma_wait3A_29 = tpu.memref_squeeze %dma_wait3A_28 : memref<1x79x128xi32, #tpu.memory_space<hbm>> -> memref<79x128xi32, #tpu.memory_space<hbm>>
      %dma_wait3A_30 = arith.constant 0 : i32
      %dma_wait3A_31 = arith.constant 0 : i32
      %dma_wait3A_32 = tpu.memref_slice %arg4[%add3A, %dma_wait3A_30, %dma_wait3A_31] : memref<32x79x128xi32, #tpu.memory_space<hbm>> -> memref<1x79x128xi32, #tpu.memory_space<hbm>>
      %dma_wait3A_33 = tpu.memref_squeeze %dma_wait3A_32 : memref<1x79x128xi32, #tpu.memory_space<hbm>> -> memref<79x128xi32, #tpu.memory_space<hbm>>
      tpu.wait_dma2 semaphore(%run_scoped3A : memref<!tpu.dma_semaphore, #tpu.memory_space<semaphore_mem>>) src(%dma_wait3A_33 : memref<79x128xi32, #tpu.memory_space<hbm>>) dst(%arg6 : memref<79x128xi32, #tpu.memory_space<vmem>>)
      tpu.yield
    }) : () -> ()
    "tpu.region"() ({
      %run_scoped3A = tpu.sem_alloc : memref<!tpu.dma_semaphore, #tpu.memory_space<semaphore_mem>>
      %dma_start3A = arith.constant 0 : i32
      %dma_start3A_20 = arith.constant 0 : i32
      %dma_start3A_21 = tpu.memref_slice %arg3[%add3A, %dma_start3A, %dma_start3A_20] : memref<32x79x128xi32, #tpu.memory_space<hbm>> -> memref<1x79x128xi32, #tpu.memory_space<hbm>>
      %dma_start3A_22 = tpu.memref_squeeze %dma_start3A_21 : memref<1x79x128xi32, #tpu.memory_space<hbm>> -> memref<79x128xi32, #tpu.memory_space<hbm>>
      %dma_start3A_23 = arith.constant 0 : i32
      %dma_start3A_24 = arith.constant 0 : i32
      %dma_start3A_25 = tpu.memref_slice %arg3[%add3A, %dma_start3A_23, %dma_start3A_24] : memref<32x79x128xi32, #tpu.memory_space<hbm>> -> memref<1x79x128xi32, #tpu.memory_space<hbm>>
      %dma_start3A_26 = tpu.memref_squeeze %dma_start3A_25 : memref<1x79x128xi32, #tpu.memory_space<hbm>> -> memref<79x128xi32, #tpu.memory_space<hbm>>
      tpu.enqueue_dma source(%dma_start3A_26 : memref<79x128xi32, #tpu.memory_space<hbm>>) target(%arg7 : memref<79x128xi32, #tpu.memory_space<vmem>>) target_semaphore(%run_scoped3A : memref<!tpu.dma_semaphore, #tpu.memory_space<semaphore_mem>>)
      %dma_wait3A = arith.constant 0 : i32
      %dma_wait3A_27 = arith.constant 0 : i32
      %dma_wait3A_28 = tpu.memref_slice %arg3[%add3A, %dma_wait3A, %dma_wait3A_27] : memref<32x79x128xi32, #tpu.memory_space<hbm>> -> memref<1x79x128xi32, #tpu.memory_space<hbm>>
      %dma_wait3A_29 = tpu.memref_squeeze %dma_wait3A_28 : memref<1x79x128xi32, #tpu.memory_space<hbm>> -> memref<79x128xi32, #tpu.memory_space<hbm>>
      %dma_wait3A_30 = arith.constant 0 : i32
      %dma_wait3A_31 = arith.constant 0 : i32
      %dma_wait3A_32 = tpu.memref_slice %arg3[%add3A, %dma_wait3A_30, %dma_wait3A_31] : memref<32x79x128xi32, #tpu.memory_space<hbm>> -> memref<1x79x128xi32, #tpu.memory_space<hbm>>
      %dma_wait3A_33 = tpu.memref_squeeze %dma_wait3A_32 : memref<1x79x128xi32, #tpu.memory_space<hbm>> -> memref<79x128xi32, #tpu.memory_space<hbm>>
      tpu.wait_dma2 semaphore(%run_scoped3A : memref<!tpu.dma_semaphore, #tpu.memory_space<semaphore_mem>>) src(%dma_wait3A_33 : memref<79x128xi32, #tpu.memory_space<hbm>>) dst(%arg7 : memref<79x128xi32, #tpu.memory_space<vmem>>)
      tpu.yield
    }) : () -> ()
    %scan3A = arith.constant 0 : i32
    %scan3A_1 = arith.constant 128 : i32
    %scan3A_2 = arith.addi %scan3A, %scan3A_1 : i32
    %scan3A_3 = arith.constant 1 : i32
    scf.for %scan3A_20 = %scan3A to %scan3A_2 step %scan3A_3  : i32 {
      %mul3A_21 = arith.constant 1 : i32
      %mul3A_22 = arith.muli %scan3A_20, %mul3A_21 : i32
      %add3A_23 = arith.constant 0 : i32
      %add3A_24 = arith.addi %add3A_23, %mul3A_22 : i32
      %scan3A_25 = arith.constant 0 : i32
      %scan3A_26 = arith.constant 8 : i32
      %scan3A_27 = arith.addi %scan3A_25, %scan3A_26 : i32
      %scan3A_28 = arith.constant 1 : i32
      scf.for %scan3A_30 = %scan3A_25 to %scan3A_27 step %scan3A_28  : i32 {
        %mul3A_31 = arith.constant 16 : i32
        %mul3A_32 = arith.muli %scan3A_30, %mul3A_31 : i32
        %add3A_33 = arith.constant 0 : i32
        %add3A_34 = arith.addi %add3A_33, %mul3A_32 : i32
        %broadcast_in_dim3A = arith.constant 0.000000e+00 : f32
        %broadcast_in_dim3A_35 = vector.broadcast %broadcast_in_dim3A : f32 to vector<1x16xf32>
        %swap3A = arith.index_cast %add3A_24 : i32 to index
        %swap3A_36 = arith.index_cast %add3A_34 : i32 to index
        %swap3A_37 = tpu.vector_load %arg8[%swap3A, %swap3A_36] {strides = array<i32>} : memref<128x128xf32, #tpu.memory_space<vmem>>, vector<1x16xf32>,
        %swap3A_38 = vector.shape_cast %swap3A_37 : vector<1x16xf32> to vector<1x16xf32>
        %swap3A_39 = vector.shape_cast %broadcast_in_dim3A_35 : vector<1x16xf32> to vector<1x16xf32>
        tpu.vector_store %arg8[%swap3A, %swap3A_36], %swap3A_39 {strides = array<i32>} : memref<128x128xf32, #tpu.memory_space<vmem>>, vector<1x16xf32>,
      }
      %scan3A_29 = arith.constant 8 : i32
    }
    %scan3A_4 = arith.constant 128 : i32
    %scan3A_5 = arith.constant 0 : i32
    %scan3A_6 = arith.constant 5 : i32
    %scan3A_7 = arith.addi %scan3A_5, %scan3A_6 : i32
    %scan3A_8 = arith.constant 1 : i32
    scf.for %scan3A_20 = %scan3A_5 to %scan3A_7 step %scan3A_8  : i32 {
      %mul3A_21 = arith.constant 128 : i32
      %mul3A_22 = arith.muli %scan3A_20, %mul3A_21 : i32
      %add3A_23 = arith.constant 0 : i32
      %add3A_24 = arith.addi %add3A_23, %mul3A_22 : i32
      %mul3A_25 = arith.constant 640 : i32
      %mul3A_26 = arith.muli %arg1, %mul3A_25 : i32
      %add3A_27 = arith.addi %mul3A_26, %add3A_24 : i32
      "tpu.region"() ({
        %run_scoped3A = tpu.sem_alloc : memref<!tpu.dma_semaphore, #tpu.memory_space<semaphore_mem>>
        %dma_start3A = arith.constant 0 : i32
        %dma_start3A_28 = tpu.memref_slice %arg9[%add3A_27, %dma_start3A] : memref<10240x128xf32, #tpu.memory_space<vmem_shared>> -> memref<128x128xf32, #tpu.memory_space<vmem_shared>>
        %dma_start3A_29 = arith.constant 0 : i32
        %dma_start3A_30 = tpu.memref_slice %arg9[%add3A_27, %dma_start3A_29] : memref<10240x128xf32, #tpu.memory_space<vmem_shared>> -> memref<128x128xf32, #tpu.memory_space<vmem_shared>>
        tpu.enqueue_dma source(%arg8 : memref<128x128xf32, #tpu.memory_space<vmem>>) target(%dma_start3A_30 : memref<128x128xf32, #tpu.memory_space<vmem_shared>>) target_semaphore(%run_scoped3A : memref<!tpu.dma_semaphore, #tpu.memory_space<semaphore_mem>>)
        %dma_wait3A = arith.constant 0 : i32
        %dma_wait3A_31 = tpu.memref_slice %arg9[%add3A_27, %dma_wait3A] : memref<10240x128xf32, #tpu.memory_space<vmem_shared>> -> memref<128x128xf32, #tpu.memory_space<vmem_shared>>
        %dma_wait3A_32 = arith.constant 0 : i32
        %dma_wait3A_33 = tpu.memref_slice %arg9[%add3A_27, %dma_wait3A_32] : memref<10240x128xf32, #tpu.memory_space<vmem_shared>> -> memref<128x128xf32, #tpu.memory_space<vmem_shared>>
        tpu.wait_dma2 semaphore(%run_scoped3A : memref<!tpu.dma_semaphore, #tpu.memory_space<semaphore_mem>>) src(%arg8 : memref<128x128xf32, #tpu.memory_space<vmem>>) dst(%dma_wait3A_33 : memref<128x128xf32, #tpu.memory_space<vmem_shared>>)
        tpu.yield
      }) : () -> ()
    }
    %scan3A_9 = arith.constant 5 : i32
    %barrier3A = arith.constant 0 : index
    tpu.barrier barrier_id(%barrier3A)
    %scan3A_10 = arith.constant 0 : i32
    %scan3A_11 = arith.constant 79 : i32
    %scan3A_12 = arith.addi %scan3A_10, %scan3A_11 : i32
    %scan3A_13 = arith.constant 1 : i32
    scf.for %scan3A_20 = %scan3A_10 to %scan3A_12 step %scan3A_13  : i32 {
      %mul3A_21 = arith.constant 1 : i32
      %mul3A_22 = arith.muli %scan3A_20, %mul3A_21 : i32
      %add3A_23 = arith.constant 0 : i32
      %add3A_24 = arith.addi %add3A_23, %mul3A_22 : i32
      "tpu.region"() ({
        %run_scoped3A = tpu.sem_alloc : memref<!tpu.dma_semaphore, #tpu.memory_space<semaphore_mem>>
        %dma_start3A = arith.constant 0 : i32
        %dma_start3A_25 = tpu.memref_slice %arg7[%add3A_24, %dma_start3A] : memref<79x128xi32, #tpu.memory_space<vmem>> -> memref<1x128xi32, #tpu.memory_space<vmem>>
        %dma_start3A_26 = tpu.memref_squeeze %dma_start3A_25 : memref<1x128xi32, #tpu.memory_space<vmem>> -> memref<128xi32, #tpu.memory_space<vmem>>
        %dma_start3A_27 = arith.constant 0 : i32
        %dma_start3A_28 = arith.constant 0 : i32
        %dma_start3A_29 = tpu.memref_slice %arg2[%dma_start3A_27, %dma_start3A_28] : memref<10240x128xf32, #tpu.memory_space<hbm>> -> memref<10240x128xf32, #tpu.memory_space<hbm>>
        tpu.enqueue_indirect_dma source(%dma_start3A_29 : memref<10240x128xf32, #tpu.memory_space<hbm>>) target(%arg8 : memref<128x128xf32, #tpu.memory_space<vmem>>) offsets(%dma_start3A_26 : memref<128xi32, #tpu.memory_space<vmem>>) semaphore(%run_scoped3A : memref<!tpu.dma_semaphore, #tpu.memory_space<semaphore_mem>>)
        %dma_wait3A = arith.constant 0 : i32
        %dma_wait3A_30 = tpu.memref_slice %arg7[%add3A_24, %dma_wait3A] : memref<79x128xi32, #tpu.memory_space<vmem>> -> memref<1x128xi32, #tpu.memory_space<vmem>>
        %dma_wait3A_31 = tpu.memref_squeeze %dma_wait3A_30 : memref<1x128xi32, #tpu.memory_space<vmem>> -> memref<128xi32, #tpu.memory_space<vmem>>
        %dma_wait3A_32 = arith.constant 0 : i32
        %dma_wait3A_33 = arith.constant 0 : i32
        %dma_wait3A_34 = tpu.memref_slice %arg2[%dma_wait3A_32, %dma_wait3A_33] : memref<10240x128xf32, #tpu.memory_space<hbm>> -> memref<10240x128xf32, #tpu.memory_space<hbm>>
        tpu.wait_indirect_dma semaphore(%run_scoped3A : memref<!tpu.dma_semaphore, #tpu.memory_space<semaphore_mem>>) src(%dma_wait3A_34 : memref<10240x128xf32, #tpu.memory_space<hbm>>) dst(%arg8 : memref<128x128xf32, #tpu.memory_space<vmem>>)
        tpu.yield
      }) : () -> ()
      "tpu.region"() ({
        %run_scoped3A = tpu.sem_alloc : memref<!tpu.dma_semaphore, #tpu.memory_space<semaphore_mem>>
        %dma_start3A = arith.constant 0 : i32
        %dma_start3A_25 = tpu.memref_slice %arg6[%add3A_24, %dma_start3A] : memref<79x128xi32, #tpu.memory_space<vmem>> -> memref<1x128xi32, #tpu.memory_space<vmem>>
        %dma_start3A_26 = tpu.memref_squeeze %dma_start3A_25 : memref<1x128xi32, #tpu.memory_space<vmem>> -> memref<128xi32, #tpu.memory_space<vmem>>
        %dma_start3A_27 = arith.constant 0 : i32
        %dma_start3A_28 = arith.constant 0 : i32
        %dma_start3A_29 = tpu.memref_slice %arg9[%dma_start3A_27, %dma_start3A_28] : memref<10240x128xf32, #tpu.memory_space<vmem_shared>> -> memref<10240x128xf32, #tpu.memory_space<vmem_shared>>
        tpu.enqueue_indirect_dma source(%arg8 : memref<128x128xf32, #tpu.memory_space<vmem>>) target(%dma_start3A_29 : memref<10240x128xf32, #tpu.memory_space<vmem_shared>>) offsets(%dma_start3A_26 : memref<128xi32, #tpu.memory_space<vmem>>) semaphore(%run_scoped3A : memref<!tpu.dma_semaphore, #tpu.memory_space<semaphore_mem>>) {add = true}
        %dma_wait3A = arith.constant 0 : i32
        %dma_wait3A_30 = tpu.memref_slice %arg6[%add3A_24, %dma_wait3A] : memref<79x128xi32, #tpu.memory_space<vmem>> -> memref<1x128xi32, #tpu.memory_space<vmem>>
        %dma_wait3A_31 = tpu.memref_squeeze %dma_wait3A_30 : memref<1x128xi32, #tpu.memory_space<vmem>> -> memref<128xi32, #tpu.memory_space<vmem>>
        %dma_wait3A_32 = arith.constant 0 : i32
        %dma_wait3A_33 = arith.constant 0 : i32
        %dma_wait3A_34 = tpu.memref_slice %arg9[%dma_wait3A_32, %dma_wait3A_33] : memref<10240x128xf32, #tpu.memory_space<vmem_shared>> -> memref<10240x128xf32, #tpu.memory_space<vmem_shared>>
        tpu.wait_indirect_dma semaphore(%run_scoped3A : memref<!tpu.dma_semaphore, #tpu.memory_space<semaphore_mem>>) src(%arg8 : memref<128x128xf32, #tpu.memory_space<vmem>>) dst(%dma_wait3A_34 : memref<10240x128xf32, #tpu.memory_space<vmem_shared>>)
        tpu.yield
      }) : () -> ()
    }
    %scan3A_14 = arith.constant 79 : i32
    %barrier3A_15 = arith.constant 0 : index
    tpu.barrier barrier_id(%barrier3A_15)
    %mul3A_16 = arith.constant 640 : i32
    %mul3A_17 = arith.muli %arg1, %mul3A_16 : i32
    %mul3A_18 = arith.constant 640 : i32
    %mul3A_19 = arith.muli %arg1, %mul3A_18 : i32
    "tpu.region"() ({
      %run_scoped3A = tpu.sem_alloc : memref<!tpu.dma_semaphore, #tpu.memory_space<semaphore_mem>>
      %dma_start3A = arith.constant 0 : i32
      %dma_start3A_20 = tpu.memref_slice %arg5[%arg0, %mul3A_19, %dma_start3A] : memref<2x10240x128xf32, #tpu.memory_space<hbm>> -> memref<1x640x128xf32, #tpu.memory_space<hbm>>
      %dma_start3A_21 = tpu.memref_squeeze %dma_start3A_20 : memref<1x640x128xf32, #tpu.memory_space<hbm>> -> memref<640x128xf32, #tpu.memory_space<hbm>>
      %dma_start3A_22 = arith.constant 0 : i32
      %dma_start3A_23 = tpu.memref_slice %arg9[%mul3A_17, %dma_start3A_22] : memref<10240x128xf32, #tpu.memory_space<vmem_shared>> -> memref<640x128xf32, #tpu.memory_space<vmem_shared>>
      tpu.enqueue_dma source(%dma_start3A_23 : memref<640x128xf32, #tpu.memory_space<vmem_shared>>) target(%dma_start3A_21 : memref<640x128xf32, #tpu.memory_space<hbm>>) target_semaphore(%run_scoped3A : memref<!tpu.dma_semaphore, #tpu.memory_space<semaphore_mem>>)
      %dma_wait3A = arith.constant 0 : i32
      %dma_wait3A_24 = tpu.memref_slice %arg5[%arg0, %mul3A_19, %dma_wait3A] : memref<2x10240x128xf32, #tpu.memory_space<hbm>> -> memref<1x640x128xf32, #tpu.memory_space<hbm>>
      %dma_wait3A_25 = tpu.memref_squeeze %dma_wait3A_24 : memref<1x640x128xf32, #tpu.memory_space<hbm>> -> memref<640x128xf32, #tpu.memory_space<hbm>>
      %dma_wait3A_26 = arith.constant 0 : i32
      %dma_wait3A_27 = tpu.memref_slice %arg9[%mul3A_17, %dma_wait3A_26] : memref<10240x128xf32, #tpu.memory_space<vmem_shared>> -> memref<640x128xf32, #tpu.memory_space<vmem_shared>>
      tpu.wait_dma2 semaphore(%run_scoped3A : memref<!tpu.dma_semaphore, #tpu.memory_space<semaphore_mem>>) src(%dma_wait3A_27 : memref<640x128xf32, #tpu.memory_space<vmem_shared>>) dst(%dma_wait3A_25 : memref<640x128xf32, #tpu.memory_space<hbm>>)
      tpu.yield
    }) : () -> ()
    return
  }
}

#map = affine_map<(d0, d1) -> (0, 0, 0)>
module attributes {stable_mosaic.version = 14 : i64} {
  func.func @deg_kernel(%arg0: i32, %arg1: i32, %arg2: memref<32x79x128xi32, #tpu.memory_space<hbm>>, %arg3: memref<2x10240x16xf32, #tpu.memory_space<hbm>>, %arg4: memref<79x128xi32, #tpu.memory_space<vmem>>, %arg5: memref<128x16xf32, #tpu.memory_space<vmem>>, %arg6: memref<10240x16xf32, #tpu.memory_space<vmem_shared>>) attributes {dimension_semantics = [#tpu.dimension_semantics<core_parallel>, #tpu.dimension_semantics<subcore_parallel>], iteration_bounds = array<i64: 2, 16>, scalar_prefetch = 0 : i64, scratch_operands = 3 : i64, tpu.core_type = #tpu.core_type<sc_vector_subcore>, window_params = [{transform_indices = #map}, {transform_indices = #map}]} {
    %mul3A = arith.constant 16 : i32
    %mul3A_0 = arith.muli %arg0, %mul3A : i32
    %add3A = arith.addi %mul3A_0, %arg1 : i32
    "tpu.region"() ({
      %run_scoped3A = tpu.sem_alloc : memref<!tpu.dma_semaphore, #tpu.memory_space<semaphore_mem>>
      %dma_start3A = arith.constant 0 : i32
      %dma_start3A_22 = arith.constant 0 : i32
      %dma_start3A_23 = tpu.memref_slice %arg2[%add3A, %dma_start3A, %dma_start3A_22] : memref<32x79x128xi32, #tpu.memory_space<hbm>> -> memref<1x79x128xi32, #tpu.memory_space<hbm>>
      %dma_start3A_24 = tpu.memref_squeeze %dma_start3A_23 : memref<1x79x128xi32, #tpu.memory_space<hbm>> -> memref<79x128xi32, #tpu.memory_space<hbm>>
      %dma_start3A_25 = arith.constant 0 : i32
      %dma_start3A_26 = arith.constant 0 : i32
      %dma_start3A_27 = tpu.memref_slice %arg2[%add3A, %dma_start3A_25, %dma_start3A_26] : memref<32x79x128xi32, #tpu.memory_space<hbm>> -> memref<1x79x128xi32, #tpu.memory_space<hbm>>
      %dma_start3A_28 = tpu.memref_squeeze %dma_start3A_27 : memref<1x79x128xi32, #tpu.memory_space<hbm>> -> memref<79x128xi32, #tpu.memory_space<hbm>>
      tpu.enqueue_dma source(%dma_start3A_28 : memref<79x128xi32, #tpu.memory_space<hbm>>) target(%arg4 : memref<79x128xi32, #tpu.memory_space<vmem>>) target_semaphore(%run_scoped3A : memref<!tpu.dma_semaphore, #tpu.memory_space<semaphore_mem>>)
      %dma_wait3A = arith.constant 0 : i32
      %dma_wait3A_29 = arith.constant 0 : i32
      %dma_wait3A_30 = tpu.memref_slice %arg2[%add3A, %dma_wait3A, %dma_wait3A_29] : memref<32x79x128xi32, #tpu.memory_space<hbm>> -> memref<1x79x128xi32, #tpu.memory_space<hbm>>
      %dma_wait3A_31 = tpu.memref_squeeze %dma_wait3A_30 : memref<1x79x128xi32, #tpu.memory_space<hbm>> -> memref<79x128xi32, #tpu.memory_space<hbm>>
      %dma_wait3A_32 = arith.constant 0 : i32
      %dma_wait3A_33 = arith.constant 0 : i32
      %dma_wait3A_34 = tpu.memref_slice %arg2[%add3A, %dma_wait3A_32, %dma_wait3A_33] : memref<32x79x128xi32, #tpu.memory_space<hbm>> -> memref<1x79x128xi32, #tpu.memory_space<hbm>>
      %dma_wait3A_35 = tpu.memref_squeeze %dma_wait3A_34 : memref<1x79x128xi32, #tpu.memory_space<hbm>> -> memref<79x128xi32, #tpu.memory_space<hbm>>
      tpu.wait_dma2 semaphore(%run_scoped3A : memref<!tpu.dma_semaphore, #tpu.memory_space<semaphore_mem>>) src(%dma_wait3A_35 : memref<79x128xi32, #tpu.memory_space<hbm>>) dst(%arg4 : memref<79x128xi32, #tpu.memory_space<vmem>>)
      tpu.yield
    }) : () -> ()
    %scan3A = arith.constant 0 : i32
    %scan3A_1 = arith.constant 128 : i32
    %scan3A_2 = arith.addi %scan3A, %scan3A_1 : i32
    %scan3A_3 = arith.constant 1 : i32
    scf.for %scan3A_22 = %scan3A to %scan3A_2 step %scan3A_3  : i32 {
      %mul3A_23 = arith.constant 1 : i32
      %mul3A_24 = arith.muli %scan3A_22, %mul3A_23 : i32
      %add3A_25 = arith.constant 0 : i32
      %add3A_26 = arith.addi %add3A_25, %mul3A_24 : i32
      %broadcast_in_dim3A = arith.constant 0.000000e+00 : f32
      %broadcast_in_dim3A_27 = vector.broadcast %broadcast_in_dim3A : f32 to vector<1x16xf32>
      %swap3A = arith.index_cast %add3A_26 : i32 to index
      %swap3A_28 = arith.constant 0 : index
      %swap3A_29 = tpu.vector_load %arg5[%swap3A, %swap3A_28] {strides = array<i32>} : memref<128x16xf32, #tpu.memory_space<vmem>>, vector<1x16xf32>,
      %swap3A_30 = vector.shape_cast %swap3A_29 : vector<1x16xf32> to vector<1x16xf32>
      %swap3A_31 = vector.shape_cast %broadcast_in_dim3A_27 : vector<1x16xf32> to vector<1x16xf32>
      tpu.vector_store %arg5[%swap3A, %swap3A_28], %swap3A_31 {strides = array<i32>} : memref<128x16xf32, #tpu.memory_space<vmem>>, vector<1x16xf32>,
    }
    %scan3A_4 = arith.constant 128 : i32
    %scan3A_5 = arith.constant 0 : i32
    %scan3A_6 = arith.constant 5 : i32
    %scan3A_7 = arith.addi %scan3A_5, %scan3A_6 : i32
    %scan3A_8 = arith.constant 1 : i32
    scf.for %scan3A_22 = %scan3A_5 to %scan3A_7 step %scan3A_8  : i32 {
      %mul3A_23 = arith.constant 128 : i32
      %mul3A_24 = arith.muli %scan3A_22, %mul3A_23 : i32
      %add3A_25 = arith.constant 0 : i32
      %add3A_26 = arith.addi %add3A_25, %mul3A_24 : i32
      %mul3A_27 = arith.constant 640 : i32
      %mul3A_28 = arith.muli %arg1, %mul3A_27 : i32
      %add3A_29 = arith.addi %mul3A_28, %add3A_26 : i32
      "tpu.region"() ({
        %run_scoped3A = tpu.sem_alloc : memref<!tpu.dma_semaphore, #tpu.memory_space<semaphore_mem>>
        %dma_start3A = arith.constant 0 : i32
        %dma_start3A_30 = tpu.memref_slice %arg6[%add3A_29, %dma_start3A] : memref<10240x16xf32, #tpu.memory_space<vmem_shared>> -> memref<128x16xf32, #tpu.memory_space<vmem_shared>>
        %dma_start3A_31 = arith.constant 0 : i32
        %dma_start3A_32 = tpu.memref_slice %arg6[%add3A_29, %dma_start3A_31] : memref<10240x16xf32, #tpu.memory_space<vmem_shared>> -> memref<128x16xf32, #tpu.memory_space<vmem_shared>>
        tpu.enqueue_dma source(%arg5 : memref<128x16xf32, #tpu.memory_space<vmem>>) target(%dma_start3A_32 : memref<128x16xf32, #tpu.memory_space<vmem_shared>>) target_semaphore(%run_scoped3A : memref<!tpu.dma_semaphore, #tpu.memory_space<semaphore_mem>>)
        %dma_wait3A = arith.constant 0 : i32
        %dma_wait3A_33 = tpu.memref_slice %arg6[%add3A_29, %dma_wait3A] : memref<10240x16xf32, #tpu.memory_space<vmem_shared>> -> memref<128x16xf32, #tpu.memory_space<vmem_shared>>
        %dma_wait3A_34 = arith.constant 0 : i32
        %dma_wait3A_35 = tpu.memref_slice %arg6[%add3A_29, %dma_wait3A_34] : memref<10240x16xf32, #tpu.memory_space<vmem_shared>> -> memref<128x16xf32, #tpu.memory_space<vmem_shared>>
        tpu.wait_dma2 semaphore(%run_scoped3A : memref<!tpu.dma_semaphore, #tpu.memory_space<semaphore_mem>>) src(%arg5 : memref<128x16xf32, #tpu.memory_space<vmem>>) dst(%dma_wait3A_35 : memref<128x16xf32, #tpu.memory_space<vmem_shared>>)
        tpu.yield
      }) : () -> ()
    }
    %scan3A_9 = arith.constant 5 : i32
    %scan3A_10 = arith.constant 0 : i32
    %scan3A_11 = arith.constant 128 : i32
    %scan3A_12 = arith.addi %scan3A_10, %scan3A_11 : i32
    %scan3A_13 = arith.constant 1 : i32
    scf.for %scan3A_22 = %scan3A_10 to %scan3A_12 step %scan3A_13  : i32 {
      %mul3A_23 = arith.constant 1 : i32
      %mul3A_24 = arith.muli %scan3A_22, %mul3A_23 : i32
      %add3A_25 = arith.constant 0 : i32
      %add3A_26 = arith.addi %add3A_25, %mul3A_24 : i32
      %broadcast_in_dim3A = arith.constant 1.000000e+00 : f32
      %broadcast_in_dim3A_27 = vector.broadcast %broadcast_in_dim3A : f32 to vector<1x16xf32>
      %swap3A = arith.index_cast %add3A_26 : i32 to index
      %swap3A_28 = arith.constant 0 : index
      %swap3A_29 = tpu.vector_load %arg5[%swap3A, %swap3A_28] {strides = array<i32>} : memref<128x16xf32, #tpu.memory_space<vmem>>, vector<1x16xf32>,
      %swap3A_30 = vector.shape_cast %swap3A_29 : vector<1x16xf32> to vector<1x16xf32>
      %swap3A_31 = vector.shape_cast %broadcast_in_dim3A_27 : vector<1x16xf32> to vector<1x16xf32>
      tpu.vector_store %arg5[%swap3A, %swap3A_28], %swap3A_31 {strides = array<i32>} : memref<128x16xf32, #tpu.memory_space<vmem>>, vector<1x16xf32>,
    }
    %scan3A_14 = arith.constant 128 : i32
    %barrier3A = arith.constant 0 : index
    tpu.barrier barrier_id(%barrier3A)
    %parallel_loop3A = arith.constant 0 : i32
    %parallel_loop3A_15 = arith.constant 79 : i32
    %parallel_loop3A_16 = arith.constant 1 : i32
    scf.for %parallel_loop3A_22 = %parallel_loop3A to %parallel_loop3A_15 step %parallel_loop3A_16  : i32 {
      "tpu.region"() ({
        %parallel_loop3A_23 = tpu.sem_alloc : memref<!tpu.dma_semaphore, #tpu.memory_space<semaphore_mem>>
        %parallel_loop3A_24 = arith.constant 0 : i32
        %parallel_loop3A_25 = tpu.memref_slice %arg4[%parallel_loop3A_22, %parallel_loop3A_24] : memref<79x128xi32, #tpu.memory_space<vmem>> -> memref<1x128xi32, #tpu.memory_space<vmem>>
        %parallel_loop3A_26 = tpu.memref_squeeze %parallel_loop3A_25 : memref<1x128xi32, #tpu.memory_space<vmem>> -> memref<128xi32, #tpu.memory_space<vmem>>
        %parallel_loop3A_27 = arith.constant 0 : i32
        %parallel_loop3A_28 = arith.constant 0 : i32
        %parallel_loop3A_29 = tpu.memref_slice %arg6[%parallel_loop3A_27, %parallel_loop3A_28] : memref<10240x16xf32, #tpu.memory_space<vmem_shared>> -> memref<10240x16xf32, #tpu.memory_space<vmem_shared>>
        tpu.enqueue_indirect_dma source(%arg5 : memref<128x16xf32, #tpu.memory_space<vmem>>) target(%parallel_loop3A_29 : memref<10240x16xf32, #tpu.memory_space<vmem_shared>>) offsets(%parallel_loop3A_26 : memref<128xi32, #tpu.memory_space<vmem>>) semaphore(%parallel_loop3A_23 : memref<!tpu.dma_semaphore, #tpu.memory_space<semaphore_mem>>) {add = true}
        %parallel_loop3A_30 = arith.constant 0 : i32
        %parallel_loop3A_31 = tpu.memref_slice %arg4[%parallel_loop3A_22, %parallel_loop3A_30] : memref<79x128xi32, #tpu.memory_space<vmem>> -> memref<1x128xi32, #tpu.memory_space<vmem>>
        %parallel_loop3A_32 = tpu.memref_squeeze %parallel_loop3A_31 : memref<1x128xi32, #tpu.memory_space<vmem>> -> memref<128xi32, #tpu.memory_space<vmem>>
        %parallel_loop3A_33 = arith.constant 0 : i32
        %parallel_loop3A_34 = arith.constant 0 : i32
        %parallel_loop3A_35 = tpu.memref_slice %arg6[%parallel_loop3A_33, %parallel_loop3A_34] : memref<10240x16xf32, #tpu.memory_space<vmem_shared>> -> memref<10240x16xf32, #tpu.memory_space<vmem_shared>>
        tpu.wait_indirect_dma semaphore(%parallel_loop3A_23 : memref<!tpu.dma_semaphore, #tpu.memory_space<semaphore_mem>>) src(%arg5 : memref<128x16xf32, #tpu.memory_space<vmem>>) dst(%parallel_loop3A_35 : memref<10240x16xf32, #tpu.memory_space<vmem_shared>>)
        tpu.yield
      }) : () -> ()
    } {sc.loop_unroll_factor = 2 : i64, sc.parallel_access}
    %barrier3A_17 = arith.constant 0 : index
    tpu.barrier barrier_id(%barrier3A_17)
    %mul3A_18 = arith.constant 640 : i32
    %mul3A_19 = arith.muli %arg1, %mul3A_18 : i32
    %mul3A_20 = arith.constant 640 : i32
    %mul3A_21 = arith.muli %arg1, %mul3A_20 : i32
    "tpu.region"() ({
      %run_scoped3A = tpu.sem_alloc : memref<!tpu.dma_semaphore, #tpu.memory_space<semaphore_mem>>
      %dma_start3A = arith.constant 0 : i32
      %dma_start3A_22 = tpu.memref_slice %arg3[%arg0, %mul3A_21, %dma_start3A] : memref<2x10240x16xf32, #tpu.memory_space<hbm>> -> memref<1x640x16xf32, #tpu.memory_space<hbm>>
      %dma_start3A_23 = tpu.memref_squeeze %dma_start3A_22 : memref<1x640x16xf32, #tpu.memory_space<hbm>> -> memref<640x16xf32, #tpu.memory_space<hbm>>
      %dma_start3A_24 = arith.constant 0 : i32
      %dma_start3A_25 = tpu.memref_slice %arg6[%mul3A_19, %dma_start3A_24] : memref<10240x16xf32, #tpu.memory_space<vmem_shared>> -> memref<640x16xf32, #tpu.memory_space<vmem_shared>>
      tpu.enqueue_dma source(%dma_start3A_25 : memref<640x16xf32, #tpu.memory_space<vmem_shared>>) target(%dma_start3A_23 : memref<640x16xf32, #tpu.memory_space<hbm>>) target_semaphore(%run_scoped3A : memref<!tpu.dma_semaphore, #tpu.memory_space<semaphore_mem>>)
      %dma_wait3A = arith.constant 0 : i32
      %dma_wait3A_26 = tpu.memref_slice %arg3[%arg0, %mul3A_21, %dma_wait3A] : memref<2x10240x16xf32, #tpu.memory_space<hbm>> -> memref<1x640x16xf32, #tpu.memory_space<hbm>>
      %dma_wait3A_27 = tpu.memref_squeeze %dma_wait3A_26 : memref<1x640x16xf32, #tpu.memory_space<hbm>> -> memref<640x16xf32, #tpu.memory_space<hbm>>
      %dma_wait3A_28 = arith.constant 0 : i32
      %dma_wait3A_29 = tpu.memref_slice %arg6[%mul3A_19, %dma_wait3A_28] : memref<10240x16xf32, #tpu.memory_space<vmem_shared>> -> memref<640x16xf32, #tpu.memory_space<vmem_shared>>
      tpu.wait_dma2 semaphore(%run_scoped3A : memref<!tpu.dma_semaphore, #tpu.memory_space<semaphore_mem>>) src(%dma_wait3A_29 : memref<640x16xf32, #tpu.memory_space<vmem_shared>>) dst(%dma_wait3A_27 : memref<640x16xf32, #tpu.memory_space<hbm>>)
      tpu.yield
    }) : () -> ()
    return
  }
}

module attributes {stable_mosaic.version = 14 : i64} {
  func.func @body(%arg0: memref<10000x128xf32, #tpu.memory_space<vmem>>, %arg1: memref<128x128xf32, #tpu.memory_space<vmem>>, %arg2: memref<2x10240x16xf32, #tpu.memory_space<vmem>>, %arg3: memref<10240x128xf32, #tpu.memory_space<vmem>>) attributes {dimension_semantics = [], scalar_prefetch = 0 : i64, scratch_operands = 0 : i64, tpu.core_type = #tpu.core_type<tc>} {
    %get3A = arith.constant 0 : index
    %get3A_0 = arith.constant 0 : index
    %get3A_1 = arith.constant 0 : index
    %get3A_2 = vector.load %arg2[%get3A, %get3A_0, %get3A_1] : memref<2x10240x16xf32, #tpu.memory_space<vmem>>, vector<2x10240x16xf32>
    %reduce_sum3A = arith.constant dense<0.000000e+00> : vector<10240x16xf32>
    %reduce_sum3A_3 = vector.multi_reduction <add>, %get3A_2, %reduce_sum3A [0] : vector<2x10240x16xf32> to vector<10240x16xf32>
    %reduce_sum3A_4 = arith.constant dense<0.000000e+00> : vector<10240xf32>
    %reduce_sum3A_5 = vector.multi_reduction <add>, %reduce_sum3A_3, %reduce_sum3A_4 [1] : vector<10240x16xf32> to vector<10240xf32>
    %mul3A = arith.constant 6.250000e-02 : f32
    %mul3A_6 = vector.broadcast %mul3A : f32 to vector<10240xf32>
    %mul3A_7 = arith.mulf %reduce_sum3A_5, %mul3A_6 : vector<10240xf32>
    %add3A = arith.constant 1.000000e+00 : f32
    %add3A_8 = vector.broadcast %add3A : f32 to vector<10240xf32>
    %add3A_9 = arith.addf %mul3A_7, %add3A_8 : vector<10240xf32>
    %rsqrt3A = math.rsqrt %add3A_9 : vector<10240xf32>
    %slice3A = vector.extract_strided_slice %rsqrt3A {offsets = [0], sizes = [10000], strides = [1]} : vector<10240xf32> to vector<10000xf32>
    %get3A_10 = arith.constant 0 : index
    %get3A_11 = arith.constant 0 : index
    %get3A_12 = vector.load %arg0[%get3A_10, %get3A_11] : memref<10000x128xf32, #tpu.memory_space<vmem>>, vector<10000x128xf32>
    %get3A_13 = arith.constant 0 : index
    %get3A_14 = arith.constant 0 : index
    %get3A_15 = vector.load %arg1[%get3A_13, %get3A_14] : memref<128x128xf32, #tpu.memory_space<vmem>>, vector<128x128xf32>
    %dot_general3A = arith.constant dense<0.000000e+00> : vector<10000x128xf32>
    %dot_general3A_16 = tpu.matmul %get3A_12, %get3A_15, %dot_general3A {dimension_numbers = #tpu.dot_dimension_numbers<[1], [0], [0], [1], [0, 0, 1, 1], [], []>, transpose_lhs_hint = false} : vector<10000x128xf32>, vector<128x128xf32>, vector<10000x128xf32> -> vector<10000x128xf32>
    %broadcast_in_dim3A = vector.shape_cast %slice3A : vector<10000xf32> to vector<10000x1xf32>
    %mul3A_17 = vector.broadcast %broadcast_in_dim3A : vector<10000x1xf32> to vector<10000x128xf32>
    %mul3A_18 = arith.mulf %dot_general3A_16, %mul3A_17 : vector<10000x128xf32>
    %swap3A = arith.constant 0 : index
    %swap3A_19 = arith.constant 0 : index
    %swap3A_20 = vector.load %arg3[%swap3A, %swap3A_19] : memref<10240x128xf32, #tpu.memory_space<vmem>>, vector<10000x128xf32>
    tpu.vector_store %arg3[%swap3A, %swap3A_19], %mul3A_18 {strides = array<i32>} : memref<10240x128xf32, #tpu.memory_space<vmem>>, vector<10000x128xf32>,
    %broadcast_in_dim3A_21 = arith.constant 0.000000e+00 : f32
    %broadcast_in_dim3A_22 = vector.broadcast %broadcast_in_dim3A_21 : f32 to vector<240x128xf32>
    %swap3A_23 = arith.constant 10000 : index
    %swap3A_24 = arith.constant 0 : index
    %swap3A_25 = vector.load %arg3[%swap3A_23, %swap3A_24] : memref<10240x128xf32, #tpu.memory_space<vmem>>, vector<240x128xf32>
    tpu.vector_store %arg3[%swap3A_23, %swap3A_24], %broadcast_in_dim3A_22 {strides = array<i32>} : memref<10240x128xf32, #tpu.memory_space<vmem>>, vector<240x128xf32>,
    return
  }
}

module attributes {stable_mosaic.version = 14 : i64} {
  func.func @body(%arg0: memref<2x10240x128xf32, #tpu.memory_space<vmem>>, %arg1: memref<10240x128xf32, #tpu.memory_space<vmem>>, %arg2: memref<2x10240x16xf32, #tpu.memory_space<vmem>>, %arg3: memref<1x128xf32, #tpu.memory_space<vmem>>, %arg4: memref<10000x128xf32, #tpu.memory_space<vmem>>) attributes {dimension_semantics = [], scalar_prefetch = 0 : i64, scratch_operands = 0 : i64, tpu.core_type = #tpu.core_type<tc>} {
    %get3A = arith.constant 0 : index
    %get3A_0 = arith.constant 0 : index
    %get3A_1 = arith.constant 0 : index
    %get3A_2 = vector.load %arg2[%get3A, %get3A_0, %get3A_1] : memref<2x10240x16xf32, #tpu.memory_space<vmem>>, vector<2x10240x16xf32>
    %reduce_sum3A = arith.constant dense<0.000000e+00> : vector<10240x16xf32>
    %reduce_sum3A_3 = vector.multi_reduction <add>, %get3A_2, %reduce_sum3A [0] : vector<2x10240x16xf32> to vector<10240x16xf32>
    %reduce_sum3A_4 = arith.constant dense<0.000000e+00> : vector<10240xf32>
    %reduce_sum3A_5 = vector.multi_reduction <add>, %reduce_sum3A_3, %reduce_sum3A_4 [1] : vector<10240x16xf32> to vector<10240xf32>
    %mul3A = arith.constant 6.250000e-02 : f32
    %mul3A_6 = vector.broadcast %mul3A : f32 to vector<10240xf32>
    %mul3A_7 = arith.mulf %reduce_sum3A_5, %mul3A_6 : vector<10240xf32>
    %add3A = arith.constant 1.000000e+00 : f32
    %add3A_8 = vector.broadcast %add3A : f32 to vector<10240xf32>
    %add3A_9 = arith.addf %mul3A_7, %add3A_8 : vector<10240xf32>
    %rsqrt3A = math.rsqrt %add3A_9 : vector<10240xf32>
    %slice3A = vector.extract_strided_slice %rsqrt3A {offsets = [0], sizes = [10000], strides = [1]} : vector<10240xf32> to vector<10000xf32>
    %get3A_10 = arith.constant 0 : index
    %get3A_11 = arith.constant 0 : index
    %get3A_12 = arith.constant 0 : index
    %get3A_13 = vector.load %arg0[%get3A_10, %get3A_11, %get3A_12] : memref<2x10240x128xf32, #tpu.memory_space<vmem>>, vector<1x10000x128xf32>
    %get3A_14 = vector.shape_cast %get3A_13 : vector<1x10000x128xf32> to vector<10000x128xf32>
    %get3A_15 = arith.constant 1 : index
    %get3A_16 = arith.constant 0 : index
    %get3A_17 = arith.constant 0 : index
    %get3A_18 = vector.load %arg0[%get3A_15, %get3A_16, %get3A_17] : memref<2x10240x128xf32, #tpu.memory_space<vmem>>, vector<1x10000x128xf32>
    %get3A_19 = vector.shape_cast %get3A_18 : vector<1x10000x128xf32> to vector<10000x128xf32>
    %add3A_20 = arith.addf %get3A_14, %get3A_19 : vector<10000x128xf32>
    %get3A_21 = arith.constant 0 : index
    %get3A_22 = arith.constant 0 : index
    %get3A_23 = vector.load %arg1[%get3A_21, %get3A_22] : memref<10240x128xf32, #tpu.memory_space<vmem>>, vector<10000x128xf32>
    %add3A_24 = arith.addf %add3A_20, %get3A_23 : vector<10000x128xf32>
    %broadcast_in_dim3A = vector.shape_cast %slice3A : vector<10000xf32> to vector<10000x1xf32>
    %mul3A_25 = vector.broadcast %broadcast_in_dim3A : vector<10000x1xf32> to vector<10000x128xf32>
    %mul3A_26 = arith.mulf %add3A_24, %mul3A_25 : vector<10000x128xf32>
    %get3A_27 = arith.constant 0 : index
    %get3A_28 = arith.constant 0 : index
    %get3A_29 = vector.load %arg3[%get3A_27, %get3A_28] : memref<1x128xf32, #tpu.memory_space<vmem>>, vector<1x128xf32>
    %add3A_30 = vector.broadcast %get3A_29 : vector<1x128xf32> to vector<10000x128xf32>
    %add3A_31 = arith.addf %mul3A_26, %add3A_30 : vector<10000x128xf32>
    %max3A = arith.constant 0.000000e+00 : f32
    %max3A_32 = vector.broadcast %max3A : f32 to vector<10000x128xf32>
    %max3A_33 = arith.maximumf %add3A_31, %max3A_32 : vector<10000x128xf32>
    %swap3A = arith.constant 0 : index
    %swap3A_34 = arith.constant 0 : index
    %swap3A_35 = vector.load %arg4[%swap3A, %swap3A_34] : memref<10000x128xf32, #tpu.memory_space<vmem>>, vector<10000x128xf32>
    tpu.vector_store %arg4[%swap3A, %swap3A_34], %max3A_33 {strides = array<i32>} : memref<10000x128xf32, #tpu.memory_space<vmem>>, vector<10000x128xf32>,
    return
  }
}

</mosaic_0001>

<sc_bundles>
// kernel: kernel.6.cloned.1.call-start
scs
__scs_entry_jumppad:
0x0: {  	(pc) =	sbr.rel $0x88, $3  }
0x1: {  	(tag) =	ssettag $0x0;
	lr =	simm.s32 $0x1  }
0x2: {  	[smem:$0x3F9D] =	sst lr;
	_ =	strace $0xD0000000  }
0x3: {  	_ = 	snop  }
0x4: {  	_ = 	snop  }
0x5: {  	_ = 	snop  }
0x6: {  	_ = 	snop  }
0x7: {  	_ = 	snop  }
__scs_overlays_trampoline_lowered:
0x8: {  	[smem:$0x3FAC] =	sst s0  }
0x9: {  	[smem:$0x3FAD] =	sst s1  }
0xa: {  	[smem:$0x3FAE] =	sst s2  }
0xb: {  	[smem:$0x3FAF] =	sst s3  }
0xc: {  	[smem:$0x3FB0] =	sst s4  }
0xd: {  	[smem:$0x3FB1] =	sst s5  }
0xe: {  	[smem:$0x3FB2] =	sst s6  }
0xf: {  	[smem:$0x3FB3] =	sst s7  }
0x10: {  	[smem:$0x3FB4] =	sst s8  }
0x11: {  	[smem:$0x3FB5] =	sst s9;
	s0 =	simm.s32 @!p0 $0x0  }
0x12: {  	s1 =	sld [smem:$0x3F9B];
	s0 =	simm.s32 @p0 $0x1  }
0x13: {  	[smem:$0x3FB6] =	sst s0;
	s0 =	simm.s32 @!p1 $0x0  }
0x14: {  	s2 =	sld [smem:$0x3F9A];
	s0 =	simm.s32 @p1 $0x1  }
0x15: {  	[smem:$0x3FB7] =	sst s0;
	s0 =	simm.s32 @!p2 $0x0  }
0x16: {  	s3 =	sld [smem:$0x3FDB];
	s0 =	simm.s32 @p2 $0x1  }
0x17: {  	s4 =	simm.s32 $0x1BF5;
	[smem:$0x3FB9] =	sst s0  }
0x18: {  	s0 =	sld [smem:$0x3F9C];
	_ =	swait.ge [sflag:s4], $0x0  }
0x19: {  	s7 =	sld [smem:$0x3F9D]  }
0x1a: {  	s8 =	sadd.s32 $0xFFFFE003, lr  }
0x1b: {  	s9 =	sadd.s32 $0xFFFFFEF7, lr;
	s5 =	simm.s32 $0xFFFFFFFF;
	p2 =	slt.u32 s8, $0xFFFFF086  }
0x1c: {  	p1 =	slt.u32 s9, $0xF7A;
	s5 =	simm.s32 @!p2 $0x0  }
0x1d: {  	s5 =	simm.s32 @p1 $0x1;
	p0 =	seq.s32 s7, s2  }
0x1e: {  	s7 =	smul.u32 @!p0 $0xF7A, s2;
	p2 =	seq.s32 @!p0 s5, $0x0  }
0x1f: {  	s9 =	smul.u32 $0xF7A, s1;
	s8 =	simm.s32 @!p0 $0x1BF5;
	p2 =	por !p2, p0  }
0x20: {  	[sflag:s8] =	ssyncset.s32 @!p0 $0xFFFFF086;
	s6 =	sadd.s32 @!p0 s3, s7;
	s7 =	simm.s32 @!p0 $0x108  }
0x21: {  	s3 =	sadd.s32 s3, s9;
	s6 =	sadd.s32 @!p0 $0x88, s6;
	s7 =	simm.s32 @p2 $0x1082  }
0x22: {  	[simem:s7], [sflag:s8] =	dma.local @!p0 [hbm:s6], $0xF7A  }
0x23: {  	s9 =	sor.u32 $0xD0000000, s2;
	s6 =	simm.s32 $0x108;
	_ =	swait.ge @!p0 [sflag:s8], $0x0  }
0x24: {  	s3 =	sadd.s32 $0x88, s3;
	s6 =	simm.s32 @!p1 $0x1082;
	[sflag:s4] =	ssyncset.s32 $0xFFFFF086  }
0x25: {  	[simem:s6], [sflag:s4] =	dma.local [hbm:s3], $0xF7A  }
0x26: {  	[smem:$0x3F9D] =	sst s1;
	(tag) =	ssettag s2;
	_ =	strace s9  }
0x27: {  	s1 =	sld [smem:$0x3FAD]  }
0x28: {  	s2 =	sld [smem:$0x3FAE]  }
0x29: {  	s4 =	sld [smem:$0x3FB0]  }
0x2a: {  	p0 =	seq.s32 s5, $0x0;
	s5 =	sld [smem:$0x3FB1]  }
0x2b: {  	s6 =	sld [smem:$0x3FB2]  }
0x2c: {  	s7 =	sld [smem:$0x3FB3]  }
0x2d: {  	s3 =	simm.s32 $0x108;
	s8 =	sld [smem:$0x3FB4]  }
0x2e: {  	s3 =	simm.s32 @!p0 $0x1082;
	s9 =	sld [smem:$0x3FB5]  }
0x2f: {  	lr =	sadd.s32 s0, s3;
	s0 =	sld [smem:$0x3FAC]  }
0x30: {  	s3 =	sld [smem:$0x3FAF]  }
0x31: {  	[smem:$0x3FB8] =	sst s10  }
0x32: {  	s10 =	sld [smem:$0x3FB6];
	_ =	sdelay $0x3  }
0x33: {  	p0 =	seq.s32 s10, $0x1;
	s10 =	sld [smem:$0x3FB8];
	_ =	sdelay $0x3  }
0x34: {  	[smem:$0x3FB8] =	sst s10  }
0x35: {  	s10 =	sld [smem:$0x3FB7];
	_ =	sdelay $0x3  }
0x36: {  	p1 =	seq.s32 s10, $0x1;
	s10 =	sld [smem:$0x3FB8];
	_ =	sdelay $0x3  }
0x37: {  	[smem:$0x3FB8] =	sst s10  }
0x38: {  	s10 =	sld [smem:$0x3FB9]  }
0x39: {  	_ = 	snop;
	(pc) =	sbr.ind lr, $3  }
0x3a: {  	_ = 	snop  }
0x3b: {  	_ = 	snop  }
0x3c: {  	p2 =	seq.s32 s10, $0x1;
	s10 =	sld [smem:$0x3FB8]  }
0x3d: {  	_ =	shalt  }
0x3e: {  	_ =	shalt  }
0x3f: {  	_ =	shalt  }
0x40: {  	_ =	shalt  }
0x41: {  	_ =	shalt  }
0x42: {  	_ =	shalt  }
0x43: {  	_ =	shalt  }
0x44: {  	_ =	shalt  }
0x45: {  	_ =	shalt  }
0x46: {  	_ =	shalt  }
0x47: {  	_ =	shalt  }
0x48: {  	_ =	shalt  }
0x49: {  	_ =	shalt  }
0x4a: {  	_ =	shalt  }
0x4b: {  	_ =	shalt  }
0x4c: {  	_ =	shalt  }
0x4d: {  	_ =	shalt  }
0x4e: {  	_ =	shalt  }
0x4f: {  	_ =	shalt  }
0x50: {  	_ =	shalt  }
0x51: {  	_ =	shalt  }
0x52: {  	_ =	shalt  }
0x53: {  	_ =	shalt  }
0x54: {  	_ =	shalt  }
0x55: {  	_ =	shalt  }
0x56: {  	_ =	shalt  }
0x57: {  	_ =	shalt  }
0x58: {  	_ =	shalt  }
0x59: {  	_ =	shalt  }
0x5a: {  	_ =	shalt  }
0x5b: {  	_ =	shalt  }
0x5c: {  	_ =	shalt  }
0x5d: {  	_ =	shalt  }
0x5e: {  	_ =	shalt  }
0x5f: {  	_ =	shalt  }
0x60: {  	_ =	shalt  }
0x61: {  	_ =	shalt  }
0x62: {  	_ =	shalt  }
0x63: {  	_ =	shalt  }
0x64: {  	_ =	shalt  }
0x65: {  	_ =	shalt  }
0x66: {  	_ =	shalt  }
0x67: {  	_ =	shalt  }
0x68: {  	_ =	shalt  }
0x69: {  	_ =	shalt  }
0x6a: {  	_ =	shalt  }
0x6b: {  	_ =	shalt  }
0x6c: {  	_ =	shalt  }
0x6d: {  	_ =	shalt  }
0x6e: {  	_ =	shalt  }
0x6f: {  	_ =	shalt  }
0x70: {  	_ =	shalt  }
0x71: {  	_ =	shalt  }
0x72: {  	_ =	shalt  }
0x73: {  	_ =	shalt  }
0x74: {  	_ =	shalt  }
0x75: {  	_ =	shalt  }
0x76: {  	_ =	shalt  }
0x77: {  	_ =	shalt  }
0x78: {  	_ =	shalt  }
0x79: {  	_ =	shalt  }
0x7a: {  	_ =	shalt  }
0x7b: {  	_ =	shalt  }
0x7c: {  	_ =	shalt  }
0x7d: {  	_ =	shalt  }
0x7e: {  	_ =	shalt  }
0x7f: {  	_ =	shalt  }
0x80: {  	_ =	shalt  }
0x81: {  	_ =	shalt  }
0x82: {  	_ =	shalt  }
0x83: {  	_ =	shalt  }
0x84: {  	_ =	shalt  }
0x85: {  	_ =	shalt  }
0x86: {  	_ =	shalt  }
0x87: {  	_ =	shalt  }
.Lfunc_end0:
.L_simem_size_0:
called_computation_lowered:
.L_overlay_start_0:
0x88: {  	s2 =	sld [smem:$0x3FD9]  }
0x89: {  	s3 =	sld [smem:$0x3FFE];
	_ =	sdelay $0x1  }
0x8a: {  	s1 =	srdreg.scid  }
0x8b: {  	s0 =	sand.u32 $0x1, s1  }
0x8c: {  	s17 =	sshll.u32 s0, $0xA;
	s2 =	sadd.s32 s3, s2  }
0x8d: {  	s2 =	sadd.s32 s2, s17  }
0x8e: {  	[smem:$0x3FC4] =	sst s2  }
0x8f: {  	_ = 	snop  }
0x90: {  	s2 =	sld [smem:$0x3FD0];
	(tm) =	ssettm $0x1  }
0x91: {  	s18 =	sld [smem:$0x3FFB];
	_ =	sdelay $0x3  }
0x92: {  	_ =	strace s18  }
0x93: {  	s3 =	sld [smem:$0x3FFC];
	_ =	sdelay $0x3  }
0x94: {  	_ =	strace s3  }
0x95: {  	s3 =	sld [smem:$0x3FFD];
	_ =	sdelay $0x3  }
0x96: {  	_ =	strace s3  }
0x97: {  	_ =	strace $0x8FFFFFFF  }
0x98: {  	s19 =	sld [smem:$0x3FDB];
	_ =	sdelay $0x1  }
0x99: {  	s4 =	simm.s32 $_scs_section_size  }
0x9a: {  	s5 =	simm.s32 $_size__tile_overlayer_lowered;
	s6 =	simm.s32 $_tile_overlayer_lowered  }
0x9b: {  	s22 =	simm.s32 $0x1BFF;
	s21 =	sshll.u32 s6, $0x1;
	s3 =	sadd.s32 s4, s19  }
0x9c: {  	s7 =	simm.s32 $0x0;
	s20 =	sshll.u32 s5, $0x1;
	s5 =	sadd.s32 s21, s3  }
0x9d: {  	[timem:s7], [sflag:s22] =	dma.local [hbm:s5], s20  }
0x9e: {  	_ =	swait.ge [sflag:s22], s20  }
0x9f: {  	s4 =	ssub.s32 $0x0, s20;
	[sflag:s22] =	ssyncset.done $0x0  }
0xa0: {  	[sflag:s22] =	ssyncadd.s32 s4;
	_ =	sdelay $0x1  }
0xa1: {  	s23 =	simm.s32 $0x1B8B  }
0xa2: {  	_ =	swait.ge [sflag:s23], $0x1  }
0xa3: {  	[sflag:s23] =	ssyncset.done $0x0  }
0xa4: {  	s25 =	simm.s32 $0x1B8E;
	s24 =	sld [smem:$0x3FFE];
	[sflag:s23] =	ssyncadd.s32 $0xFFFFFFFF  }
0xa5: {  	s26 =	simm.s32 $execute0_lowered;
	[smem:$0x3FD2] =	sst s25  }
0xa6: {  	s5 =	sshll.u32 s26, $0x1;
	_ =	strace $0x80000046;
	[dreg:$0x1] =	wrdreg $0xFFFFFFFF  }
0xa7: {  	s28 =	simm.s32 $_size_execute0_lowered;
	s3 =	sadd.s32 s3, s5;
	[dreg:$0x0] =	wrdreg $0x0  }
0xa8: {  	s5 =	sshll.u32 s28, $0x1;
	[dreg:$0x2] =	wrdreg s3  }
0xa9: {  	[dreg:$0x3] =	wrdreg s5  }
0xaa: {  	[dreg:$0x4] =	wrdreg $0xC0  }
0xab: {  	_ =	task [dreg:s7], $0x5FFFF  }
0xac: {  	[dreg:$0x1] =	wrdreg $0xFFFFFFFF  }
0xad: {  	[dreg:$0x0] =	wrdreg $0x60  }
0xae: {  	[dreg:$0x2] =	wrdreg s2  }
0xaf: {  	[dreg:$0x3] =	wrdreg s24  }
0xb0: {  	[dreg:$0x4] =	wrdreg $0x68000  }
0xb1: {  	[dreg:$0x5] =	wrdreg $0x9  }
0xb2: {  	_ =	task.clear_ibuf [dreg:s7], $0x6FFFF;
	_ =	strace $0x90000046  }
0xb3: {  	s29 =	simm.s32 $0x9;
	_ =	strace $0x80000048  }
0xb4: {  	_ =	swait.ge [sflag:s29], $0x1  }
0xb5: {  	[sflag:s29] =	ssyncadd.s32 $0xFFFFFFFF  }
0xb6: {  	_ =	strace $0x90000048  }
0xb7: {  	_ =	sfence  }
0xb8: {  	s30 =	sld [smem:$0x0];
	_ =	sdelay $0x2  }
0xb9: {  	s31 =	sshll.u32 s1, $0xD;
	s1 =	sshrl.u32 s1, $0x2  }
0xba: {  	s3 =	sand.u32 $0x4000, s31;
	s1 =	sadd.s32 s1, s30  }
0xbb: {  	s0 =	sor.u32 s3, s0;
	s1 =	sshll.u32 s1, $0x11  }
0xbc: {  	s0 =	sor.u32 s1, s0  }
0xbd: {  	s0 =	sadd.s32 $0x8F2B, s0  }
0xbe: {  	[sflag:s0] =	ssyncadd.remote.s32 $0x1  }
0xbf: {  	_ =	sfence.sel $0xFFFF  }
0xc0: {  	[dreg:$0x0] =	wrdreg $0xFFFFFFFF;
	(pc) =	sbr.abs _section_cstart, $3  }
0xc1: {  	[dreg:$0x1] =	wrdreg $0xFFFFFFFF  }
0xc2: {  	_ =	task.clear_ibuf [dreg:s7], $0x2FFFF;
	_ =	strace $0x9FFFFFFF  }
0xc3: {  	(tm) =	ssettm $0x7FFFFFFF  }
tec
execute0_lowered:
.L_overlay_start_1:
0x0: {  	(tag) =	ssettag $0x1  }
0x1: {  	s4 =	rddreg [dreg:$0x0]  }
0x2: {  	s5 =	rddreg [dreg:$0x1]  }
0x3: {  	s2 =	rddreg [dreg:$0x2]  }
0x4: {  	s0 =	srdreg.scid;
	s1 =	rddreg [dreg:$0x3];
	s3 =	simm.s32 $0x0  }
0x5: {  	s12 =	simm.s32 $0x1;
	s13 =	simm.s32 $0x2800;
	s14 =	simm.s32 $0x80  }
0x6: {  	s15 =	simm.s32 $0x2700;
	s6 =	sand.u32 $0x1, s0;
	s0 =	stileid.u32  }
0x7: {  	s18 =	simm.s32 $0x0;
	[smem:$0x7FF] =	sst s3;
	s7 =	smul.u32 $0x140000, s6  }
0x8: {  	s8 =	smul.u32 $0x14000, s0;
	s9 =	sshll.u32 s6, $0x4;
	s6 =	ssub.s32 $0x2, s6  }
0x9: {  	s29 =	smul.u32 $0x50000, s0;
	_ =	strace $0x80000047;
	s16 =	sshll.u32 s0, $0x6  }
0xa: {  	s9 =	sor.u32 s0, s9;
	s30 =	sshrl.u32 s6, $0x1;
	s7 =	sadd.s32 s8, s7  }
0xb: {  	s16 =	sor.u32 $0x1C01, s16;
	s28 =	smul.u32 $0x500, s9;
	s7 =	sshrl.u32 s7, $0x3  }
0xc: {  	s10 =	ssub.s32 s6, s30;
	s31 =	sshrl.u32 s29, $0x2;
	s7 =	sadd.s32 s7, s5  }
0xd: {  	s4 =	sadd.s32 s4, s28;
	s5 =	sadd.s32 s31, s2;
	s6 =	sadd.s32 $0x1600, s7  }
0xe: {  	s7 =	smax.u32 s10, $0x1;
	s8 =	sadd.s32 $0x4000, s5;
	s9 =	sadd.s32 $0x8000, s5  }
0xf: {  	v0 =	vimm.f32 $0.0e+00;
	v1 =	vimm.f32 $1.000000000e+00;
	s10 =	sadd.s32 $0xC000, s5;
	s11 =	sadd.s32 $0x10000, s5;
	s17 =	sshrl.u32 s5, $0x3  }
.LBB2_1:
0x10: {  	[tilespmem:s3], [sflag:$0x1] =	stream.linear.gather [hbm4b:s4+s3], $0x2780, $0x38;
	[tilespmem:$0x9000] =	vst v63  }
0x11: {  	_ =	swait.ge [sflag:s12], $0x2780  }
0x12: {  	[sflag:s12] =	ssyncset.done $0x0  }
0x13: {  	s19 =	simm.s32 $0x200;
	s20 =	simm.s32 $0x0;
	[sflag:s12] =	ssyncadd.s32 $0xFFFFD880  }
.LBB2_2:
0x14: {  	p0 =	sne.s32 s19, $0xFE00;
	[tilespmem:s20+$0x2800] =	vst v0;
	s20 =	smov.u32 s19;
	s19 =	sadd.s32 $0x200, s19  }
.Ltmp0:
0x15: {  	(pc) =	sbr.rel @p0 .LBB2_2-.Ltmp0, $2  }
0x16: {  	_ =	sdelay $0x2  }
0x17: {  	s20 =	sshra.s32 s20, $0x2  }
0x18: {  	[tilespmem:s20+$0x2800] =	vst v0  }
0x19: {  	[spmem:s5] =	stream.linear.scatter [tilespmem:s13], [sflag:$0x1], $0x4000, $0x38;
	[tilespmem:$0x9000] =	vst v63  }
0x1a: {  	_ =	swait.ge [sflag:s12], $0x4000  }
0x1b: {  	[sflag:s12] =	ssyncset.done $0x0  }
0x1c: {  	[sflag:s12] =	ssyncadd.s32 $0xFFFFC000  }
0x1d: {  	[spmem:s8] =	stream.linear.scatter [tilespmem:s13], [sflag:$0x1], $0x4000, $0x38;
	[tilespmem:$0x9000] =	vst v63  }
0x1e: {  	_ =	swait.ge [sflag:s12], $0x4000  }
0x1f: {  	[sflag:s12] =	ssyncset.done $0x0  }
0x20: {  	[sflag:s12] =	ssyncadd.s32 $0xFFFFC000  }
0x21: {  	[spmem:s9] =	stream.linear.scatter [tilespmem:s13], [sflag:$0x1], $0x4000, $0x38;
	[tilespmem:$0x9000] =	vst v63  }
0x22: {  	_ =	swait.ge [sflag:s12], $0x4000  }
0x23: {  	[sflag:s12] =	ssyncset.done $0x0  }
0x24: {  	[sflag:s12] =	ssyncadd.s32 $0xFFFFC000  }
0x25: {  	[spmem:s10] =	stream.linear.scatter [tilespmem:s13], [sflag:$0x1], $0x4000, $0x38;
	[tilespmem:$0x9000] =	vst v63  }
0x26: {  	_ =	swait.ge [sflag:s12], $0x4000  }
0x27: {  	[sflag:s12] =	ssyncset.done $0x0  }
0x28: {  	[sflag:s12] =	ssyncadd.s32 $0xFFFFC000  }
0x29: {  	[spmem:s11] =	stream.linear.scatter [tilespmem:s13], [sflag:$0x1], $0x4000, $0x38;
	[tilespmem:$0x9000] =	vst v63  }
0x2a: {  	_ =	swait.ge [sflag:s12], $0x4000  }
0x2b: {  	[sflag:s12] =	ssyncset.done $0x0  }
0x2c: {  	s19 =	simm.s32 $0x200;
	s20 =	simm.s32 $0x0;
	[sflag:s12] =	ssyncadd.s32 $0xFFFFC000  }
.LBB2_4:
0x2d: {  	p0 =	sne.s32 s19, $0xFE00;
	[tilespmem:s20+$0x2800] =	vst v1;
	s20 =	smov.u32 s19;
	s19 =	sadd.s32 $0x200, s19  }
.Ltmp1:
0x2e: {  	(pc) =	sbr.rel @p0 .LBB2_4-.Ltmp1, $2  }
0x2f: {  	_ =	sdelay $0x2  }
0x30: {  	s20 =	sshra.s32 s20, $0x2  }
0x31: {  	[tilespmem:s20+$0x2800] =	vst v1  }
0x32: {  	s19 =	simm.s32 $0x0;
	[bflag:$0x0] =	sbarrier.arrive $0xFFFF  }
0x33: {  	[spmem:s2] =	stream.indirect.scatter.add.f32 [tilespmem:s13], [sflag:$0x1], $0x10, s19, s14, $0xb8;
	[tilespmem:$0x9000] =	vst v63  }
0x34: {  	_ =	swait.ge [sflag:s12], $0x800  }
0x35: {  	[sflag:s12] =	ssyncset.done $0x0  }
0x36: {  	s31 =	simm.s32 $0x80;
	[sflag:s12] =	ssyncadd.s32 $0xFFFFF800  }
0x37: {  	[spmem:s2] =	stream.indirect.scatter.add.f32 [tilespmem:s13], [sflag:$0x1], $0x10, s31, s14, $0xb8;
	[tilespmem:$0x9000] =	vst v63  }
0x38: {  	_ =	swait.ge [sflag:s12], $0x800  }
0x39: {  	s20 =	simm.s32 $0x180;
	s19 =	simm.s32 $0x0;
	[sflag:s12] =	ssyncset.done $0x0  }
.LBB2_6:
0x3a: {  	s21 =	sadd.s32 $0xFFFFFF80, s20;
	[sflag:s12] =	ssyncadd.s32 $0xFFFFF800;
	s19 =	sadd.s32 $0x2, s19  }
0x3b: {  	[spmem:s2] =	stream.indirect.scatter.add.f32 [tilespmem:s13], [sflag:$0x1], $0x10, s21, s14, $0xb8;
	[tilespmem:$0x9000] =	vst v63  }
0x3c: {  	p0 =	slt.u32 s19, $0x4C;
	_ =	swait.ge [sflag:s12], $0x800  }
.Ltmp2:
0x3d: {  	[sflag:s12] =	ssyncset.done $0x0;
	(pc) =	sbr.rel @p0 .LBB2_6-.Ltmp2, $4  }
0x3e: {  	[sflag:s12] =	ssyncadd.s32 $0xFFFFF800  }
0x3f: {  	[spmem:s2] =	stream.indirect.scatter.add.f32 [tilespmem:s13], [sflag:$0x1], $0x10, s20, s14, $0xb8;
	[tilespmem:$0x9000] =	vst v63  }
0x40: {  	_ =	swait.ge [sflag:s12], $0x800  }
0x41: {  	s20 =	sadd.s32 $0x100, s20;
	[sflag:s12] =	ssyncset.done $0x0  }
0x42: {  	[sflag:s12] =	ssyncadd.s32 $0xFFFFF800  }
0x43: {  	[spmem:s2] =	stream.indirect.scatter.add.f32 [tilespmem:s13], [sflag:$0x1], $0x10, s15, s14, $0xb8;
	[tilespmem:$0x9000] =	vst v63  }
0x44: {  	_ =	swait.ge [sflag:s12], $0x800  }
0x45: {  	s18 =	sadd.s32 $0x1, s18;
	[sflag:s12] =	ssyncset.done $0x0  }
0x46: {  	p0 =	sne.s32 s18, s7;
	[sflag:s12] =	ssyncadd.s32 $0xFFFFF800  }
.Ltmp3:
0x47: {  	[bflag:$0x0] =	sbarrier.arrive $0xFFFF;
	(pc) =	sbr.rel @p0 .LBB2_1-.Ltmp3, $4  }
0x48: {  	[hbm:s6], [sflag:s16] =	dma.local [spmem:s17], $0x2800  }
0x49: {  	_ =	swait.ge [sflag:s12], $0x2800  }
0x4a: {  	[sflag:s12] =	ssyncset.done $0x0  }
0x4b: {  	[sflag:s12] =	ssyncadd.s32 $0xFFFFD800  }
0x4c: {  	_ =	sfence.sel $0x180000  }
0x4d: {  	[bflag:$0x0] =	sbarrier.arrive $0xFFFF  }
0x4e: {  	p0 =	sne.s32 s0, $0x0;
	_ =	strace $0x90000047  }
0x4f: {  	s0 =	sadd.s32 @!p0 $0x100000, s1;
	[bflag:$0x2] =	sbarrier.arrive $0xFFFF  }
0x50: {  	[sflag:s0] =	ssyncadd.tile.s32 @!p0 $0x1;
	_ =	shalt  }
.Lfunc_end2:
_tile_overlayer_lowered:
.L_overlay_start_2:
0x51: {  	(tag) =	ssettag $0x2  }
0x52: {  	s0 =	rddreg [dreg:$0x0];
	s2 =	stileid.u32  }
0x53: {  	s1 =	rddreg [dreg:$0x1];
	p0 =	sne.s32 s2, $0x0  }
0x54: {  	s3 =	rddreg [dreg:$0x2];
	[bflag:$0x3] =	sbarrier.arrive $0xFFFF;
	s2 =	simm.s32 @!p0 $0x1C01  }
0x55: {  	[timem:s3], [sflag:s2] =	dma.local @!p0 [hbm:s0], s1  }
0x56: {  	s0 =	simm.s32 @!p0 $0x1  }
0x57: {  	_ =	swait.ge @!p0 [sflag:s0], s1  }
0x58: {  	s1 =	ssub.s32 @!p0 $0x0, s1;
	[sflag:s0] =	ssyncset.done @!p0 $0x0  }
0x59: {  	[sflag:s0] =	ssyncadd.s32 @!p0 s1  }
0x5a: {  	[bflag:$0x3] =	sbarrier.arrive $0xFFFF  }
0x5b: {  	_ =	shalt  }

// kernel: kernel.9.cloned.1.call-start
scs
__scs_entry_jumppad:
0x0: {  	(pc) =	sbr.rel $0x88, $3  }
0x1: {  	(tag) =	ssettag $0x0;
	lr =	simm.s32 $0x1  }
0x2: {  	[smem:$0x3F9D] =	sst lr;
	_ =	strace $0xD0000000  }
0x3: {  	_ = 	snop  }
0x4: {  	_ = 	snop  }
0x5: {  	_ = 	snop  }
0x6: {  	_ = 	snop  }
0x7: {  	_ = 	snop  }
__scs_overlays_trampoline_lowered:
0x8: {  	[smem:$0x3FAC] =	sst s0  }
0x9: {  	[smem:$0x3FAD] =	sst s1  }
0xa: {  	[smem:$0x3FAE] =	sst s2  }
0xb: {  	[smem:$0x3FAF] =	sst s3  }
0xc: {  	[smem:$0x3FB0] =	sst s4  }
0xd: {  	[smem:$0x3FB1] =	sst s5  }
0xe: {  	[smem:$0x3FB2] =	sst s6  }
0xf: {  	[smem:$0x3FB3] =	sst s7  }
0x10: {  	[smem:$0x3FB4] =	sst s8  }
0x11: {  	[smem:$0x3FB5] =	sst s9;
	s0 =	simm.s32 @!p0 $0x0  }
0x12: {  	s1 =	sld [smem:$0x3F9B];
	s0 =	simm.s32 @p0 $0x1  }
0x13: {  	[smem:$0x3FB6] =	sst s0;
	s0 =	simm.s32 @!p1 $0x0  }
0x14: {  	s2 =	sld [smem:$0x3F9A];
	s0 =	simm.s32 @p1 $0x1  }
0x15: {  	[smem:$0x3FB7] =	sst s0;
	s0 =	simm.s32 @!p2 $0x0  }
0x16: {  	s3 =	sld [smem:$0x3FDB];
	s0 =	simm.s32 @p2 $0x1  }
0x17: {  	s4 =	simm.s32 $0x1BF5;
	[smem:$0x3FB9] =	sst s0  }
0x18: {  	s0 =	sld [smem:$0x3F9C];
	_ =	swait.ge [sflag:s4], $0x0  }
0x19: {  	s7 =	sld [smem:$0x3F9D]  }
0x1a: {  	s8 =	sadd.s32 $0xFFFFE003, lr  }
0x1b: {  	s9 =	sadd.s32 $0xFFFFFEF7, lr;
	s5 =	simm.s32 $0xFFFFFFFF;
	p2 =	slt.u32 s8, $0xFFFFF086  }
0x1c: {  	p1 =	slt.u32 s9, $0xF7A;
	s5 =	simm.s32 @!p2 $0x0  }
0x1d: {  	s5 =	simm.s32 @p1 $0x1;
	p0 =	seq.s32 s7, s2  }
0x1e: {  	s7 =	smul.u32 @!p0 $0xF7A, s2;
	p2 =	seq.s32 @!p0 s5, $0x0  }
0x1f: {  	s9 =	smul.u32 $0xF7A, s1;
	s8 =	simm.s32 @!p0 $0x1BF5;
	p2 =	por !p2, p0  }
0x20: {  	[sflag:s8] =	ssyncset.s32 @!p0 $0xFFFFF086;
	s6 =	sadd.s32 @!p0 s3, s7;
	s7 =	simm.s32 @!p0 $0x108  }
0x21: {  	s3 =	sadd.s32 s3, s9;
	s6 =	sadd.s32 @!p0 $0x88, s6;
	s7 =	simm.s32 @p2 $0x1082  }
0x22: {  	[simem:s7], [sflag:s8] =	dma.local @!p0 [hbm:s6], $0xF7A  }
0x23: {  	s9 =	sor.u32 $0xD0000000, s2;
	s6 =	simm.s32 $0x108;
	_ =	swait.ge @!p0 [sflag:s8], $0x0  }
0x24: {  	s3 =	sadd.s32 $0x88, s3;
	s6 =	simm.s32 @!p1 $0x1082;
	[sflag:s4] =	ssyncset.s32 $0xFFFFF086  }
0x25: {  	[simem:s6], [sflag:s4] =	dma.local [hbm:s3], $0xF7A  }
0x26: {  	[smem:$0x3F9D] =	sst s1;
	(tag) =	ssettag s2;
	_ =	strace s9  }
0x27: {  	s1 =	sld [smem:$0x3FAD]  }
0x28: {  	s2 =	sld [smem:$0x3FAE]  }
0x29: {  	s4 =	sld [smem:$0x3FB0]  }
0x2a: {  	p0 =	seq.s32 s5, $0x0;
	s5 =	sld [smem:$0x3FB1]  }
0x2b: {  	s6 =	sld [smem:$0x3FB2]  }
0x2c: {  	s7 =	sld [smem:$0x3FB3]  }
0x2d: {  	s3 =	simm.s32 $0x108;
	s8 =	sld [smem:$0x3FB4]  }
0x2e: {  	s3 =	simm.s32 @!p0 $0x1082;
	s9 =	sld [smem:$0x3FB5]  }
0x2f: {  	lr =	sadd.s32 s0, s3;
	s0 =	sld [smem:$0x3FAC]  }
0x30: {  	s3 =	sld [smem:$0x3FAF]  }
0x31: {  	[smem:$0x3FB8] =	sst s10  }
0x32: {  	s10 =	sld [smem:$0x3FB6];
	_ =	sdelay $0x3  }
0x33: {  	p0 =	seq.s32 s10, $0x1;
	s10 =	sld [smem:$0x3FB8];
	_ =	sdelay $0x3  }
0x34: {  	[smem:$0x3FB8] =	sst s10  }
0x35: {  	s10 =	sld [smem:$0x3FB7];
	_ =	sdelay $0x3  }
0x36: {  	p1 =	seq.s32 s10, $0x1;
	s10 =	sld [smem:$0x3FB8];
	_ =	sdelay $0x3  }
0x37: {  	[smem:$0x3FB8] =	sst s10  }
0x38: {  	s10 =	sld [smem:$0x3FB9]  }
0x39: {  	_ = 	snop;
	(pc) =	sbr.ind lr, $3  }
0x3a: {  	_ = 	snop  }
0x3b: {  	_ = 	snop  }
0x3c: {  	p2 =	seq.s32 s10, $0x1;
	s10 =	sld [smem:$0x3FB8]  }
0x3d: {  	_ =	shalt  }
0x3e: {  	_ =	shalt  }
0x3f: {  	_ =	shalt  }
0x40: {  	_ =	shalt  }
0x41: {  	_ =	shalt  }
0x42: {  	_ =	shalt  }
0x43: {  	_ =	shalt  }
0x44: {  	_ =	shalt  }
0x45: {  	_ =	shalt  }
0x46: {  	_ =	shalt  }
0x47: {  	_ =	shalt  }
0x48: {  	_ =	shalt  }
0x49: {  	_ =	shalt  }
0x4a: {  	_ =	shalt  }
0x4b: {  	_ =	shalt  }
0x4c: {  	_ =	shalt  }
0x4d: {  	_ =	shalt  }
0x4e: {  	_ =	shalt  }
0x4f: {  	_ =	shalt  }
0x50: {  	_ =	shalt  }
0x51: {  	_ =	shalt  }
0x52: {  	_ =	shalt  }
0x53: {  	_ =	shalt  }
0x54: {  	_ =	shalt  }
0x55: {  	_ =	shalt  }
0x56: {  	_ =	shalt  }
0x57: {  	_ =	shalt  }
0x58: {  	_ =	shalt  }
0x59: {  	_ =	shalt  }
0x5a: {  	_ =	shalt  }
0x5b: {  	_ =	shalt  }
0x5c: {  	_ =	shalt  }
0x5d: {  	_ =	shalt  }
0x5e: {  	_ =	shalt  }
0x5f: {  	_ =	shalt  }
0x60: {  	_ =	shalt  }
0x61: {  	_ =	shalt  }
0x62: {  	_ =	shalt  }
0x63: {  	_ =	shalt  }
0x64: {  	_ =	shalt  }
0x65: {  	_ =	shalt  }
0x66: {  	_ =	shalt  }
0x67: {  	_ =	shalt  }
0x68: {  	_ =	shalt  }
0x69: {  	_ =	shalt  }
0x6a: {  	_ =	shalt  }
0x6b: {  	_ =	shalt  }
0x6c: {  	_ =	shalt  }
0x6d: {  	_ =	shalt  }
0x6e: {  	_ =	shalt  }
0x6f: {  	_ =	shalt  }
0x70: {  	_ =	shalt  }
0x71: {  	_ =	shalt  }
0x72: {  	_ =	shalt  }
0x73: {  	_ =	shalt  }
0x74: {  	_ =	shalt  }
0x75: {  	_ =	shalt  }
0x76: {  	_ =	shalt  }
0x77: {  	_ =	shalt  }
0x78: {  	_ =	shalt  }
0x79: {  	_ =	shalt  }
0x7a: {  	_ =	shalt  }
0x7b: {  	_ =	shalt  }
0x7c: {  	_ =	shalt  }
0x7d: {  	_ =	shalt  }
0x7e: {  	_ =	shalt  }
0x7f: {  	_ =	shalt  }
0x80: {  	_ =	shalt  }
0x81: {  	_ =	shalt  }
0x82: {  	_ =	shalt  }
0x83: {  	_ =	shalt  }
0x84: {  	_ =	shalt  }
0x85: {  	_ =	shalt  }
0x86: {  	_ =	shalt  }
0x87: {  	_ =	shalt  }
.Lfunc_end0:
.L_simem_size_0:
called_computation.1_lowered:
.L_overlay_start_0:
0x88: {  	s2 =	sld [smem:$0x3FD9]  }
0x89: {  	s3 =	sld [smem:$0x3FFE];
	_ =	sdelay $0x1  }
0x8a: {  	s1 =	srdreg.scid  }
0x8b: {  	s0 =	sand.u32 $0x1, s1  }
0x8c: {  	s17 =	sshll.u32 s0, $0xA;
	s2 =	sadd.s32 s3, s2  }
0x8d: {  	s2 =	sadd.s32 s2, s17  }
0x8e: {  	[smem:$0x3FC4] =	sst s2  }
0x8f: {  	_ = 	snop  }
0x90: {  	s2 =	sld [smem:$0x3FD0];
	(tm) =	ssettm $0x1  }
0x91: {  	s18 =	sld [smem:$0x3FFB];
	_ =	sdelay $0x3  }
0x92: {  	_ =	strace s18  }
0x93: {  	s3 =	sld [smem:$0x3FFC];
	_ =	sdelay $0x3  }
0x94: {  	_ =	strace s3  }
0x95: {  	s3 =	sld [smem:$0x3FFD];
	_ =	sdelay $0x3  }
0x96: {  	_ =	strace s3  }
0x97: {  	_ =	strace $0x8FFFFFFF  }
0x98: {  	s19 =	sld [smem:$0x3FDB];
	_ =	sdelay $0x1  }
0x99: {  	s4 =	simm.s32 $_scs_section_size  }
0x9a: {  	s5 =	simm.s32 $_size__tile_overlayer_lowered;
	s6 =	simm.s32 $_tile_overlayer_lowered  }
0x9b: {  	s22 =	simm.s32 $0x1BFF;
	s21 =	sshll.u32 s6, $0x1;
	s3 =	sadd.s32 s4, s19  }
0x9c: {  	s7 =	simm.s32 $0x0;
	s20 =	sshll.u32 s5, $0x1;
	s5 =	sadd.s32 s21, s3  }
0x9d: {  	[timem:s7], [sflag:s22] =	dma.local [hbm:s5], s20  }
0x9e: {  	_ =	swait.ge [sflag:s22], s20  }
0x9f: {  	s4 =	ssub.s32 $0x0, s20;
	[sflag:s22] =	ssyncset.done $0x0  }
0xa0: {  	[sflag:s22] =	ssyncadd.s32 s4;
	_ =	sdelay $0x1  }
0xa1: {  	s23 =	simm.s32 $0x1B8B  }
0xa2: {  	_ =	swait.ge [sflag:s23], $0x1  }
0xa3: {  	[sflag:s23] =	ssyncset.done $0x0  }
0xa4: {  	s25 =	simm.s32 $0x1B8E;
	s24 =	sld [smem:$0x3FFE];
	[sflag:s23] =	ssyncadd.s32 $0xFFFFFFFF  }
0xa5: {  	s26 =	simm.s32 $execute0_lowered;
	[smem:$0x3FD2] =	sst s25  }
0xa6: {  	s5 =	sshll.u32 s26, $0x1;
	_ =	strace $0x80000049;
	[dreg:$0x1] =	wrdreg $0xFFFFFFFF  }
0xa7: {  	s28 =	simm.s32 $_size_execute0_lowered;
	s3 =	sadd.s32 s3, s5;
	[dreg:$0x0] =	wrdreg $0x0  }
0xa8: {  	s5 =	sshll.u32 s28, $0x1;
	[dreg:$0x2] =	wrdreg s3  }
0xa9: {  	[dreg:$0x3] =	wrdreg s5  }
0xaa: {  	[dreg:$0x4] =	wrdreg $0xC0  }
0xab: {  	_ =	task [dreg:s7], $0x5FFFF  }
0xac: {  	[dreg:$0x1] =	wrdreg $0xFFFFFFFF  }
0xad: {  	[dreg:$0x0] =	wrdreg $0x60  }
0xae: {  	[dreg:$0x2] =	wrdreg s24  }
0xaf: {  	[dreg:$0x3] =	wrdreg s2  }
0xb0: {  	[dreg:$0x4] =	wrdreg $0x90000  }
0xb1: {  	[dreg:$0x5] =	wrdreg $0x9  }
0xb2: {  	_ =	task.clear_ibuf [dreg:s7], $0x6FFFF;
	_ =	strace $0x90000049  }
0xb3: {  	s29 =	simm.s32 $0x9;
	_ =	strace $0x8000004B  }
0xb4: {  	_ =	swait.ge [sflag:s29], $0x1  }
0xb5: {  	[sflag:s29] =	ssyncadd.s32 $0xFFFFFFFF  }
0xb6: {  	_ =	strace $0x9000004B  }
0xb7: {  	_ =	sfence  }
0xb8: {  	s30 =	sld [smem:$0x0];
	_ =	sdelay $0x2  }
0xb9: {  	s31 =	sshll.u32 s1, $0xD;
	s1 =	sshrl.u32 s1, $0x2  }
0xba: {  	s3 =	sand.u32 $0x4000, s31;
	s1 =	sadd.s32 s1, s30  }
0xbb: {  	s0 =	sor.u32 s3, s0;
	s1 =	sshll.u32 s1, $0x11  }
0xbc: {  	s0 =	sor.u32 s1, s0  }
0xbd: {  	s0 =	sadd.s32 $0x8F2B, s0  }
0xbe: {  	[sflag:s0] =	ssyncadd.remote.s32 $0x1  }
0xbf: {  	_ =	sfence.sel $0xFFFF  }
0xc0: {  	[dreg:$0x0] =	wrdreg $0xFFFFFFFF;
	(pc) =	sbr.abs _section_cstart, $3  }
0xc1: {  	[dreg:$0x1] =	wrdreg $0xFFFFFFFF  }
0xc2: {  	_ =	task.clear_ibuf [dreg:s7], $0x2FFFF;
	_ =	strace $0x9FFFFFFF  }
0xc3: {  	(tm) =	ssettm $0x7FFFFFFF  }
tec
execute0_lowered:
.L_overlay_start_1:
0x0: {  	(tag) =	ssettag $0x1  }
0x1: {  	s5 =	rddreg [dreg:$0x0]  }
0x2: {  	s6 =	rddreg [dreg:$0x1]  }
0x3: {  	s1 =	rddreg [dreg:$0x2]  }
0x4: {  	s2 =	srdreg.scid;
	s0 =	rddreg [dreg:$0x3];
	s3 =	simm.s32 $0x0  }
0x5: {  	s14 =	simm.s32 $0x1;
	s15 =	simm.s32 $0x2800;
	s16 =	simm.s32 $0x5000  }
0x6: {  	s17 =	simm.s32 $0x80;
	s7 =	sand.u32 $0x1, s2;
	s2 =	stileid.u32  }
0x7: {  	s20 =	simm.s32 $0x0;
	[smem:$0x7FF] =	sst s3;
	s8 =	smul.u32 $0x140000, s7  }
0x8: {  	s4 =	sadd.s32 $0x5B600, s5;
	s9 =	sshll.u32 s7, $0x4;
	s10 =	smul.u32 $0x14000, s2  }
0x9: {  	_ =	strace $0x8000004A;
	s7 =	ssub.s32 $0x2, s7;
	s11 =	smul.u32 $0x50000, s2  }
0xa: {  	s18 =	sshll.u32 s2, $0x6;
	s9 =	sor.u32 s2, s9;
	s30 =	sshrl.u32 s7, $0x1  }
0xb: {  	s18 =	sor.u32 $0x1C01, s18;
	s9 =	smul.u32 $0x500, s9;
	s8 =	sadd.s32 s10, s8  }
0xc: {  	s10 =	ssub.s32 s7, s30;
	s31 =	sshrl.u32 s11, $0x2;
	s8 =	sshrl.u32 s8, $0x3  }
0xd: {  	s7 =	sadd.s32 s31, s1;
	s12 =	sadd.s32 s9, s5;
	s8 =	sadd.s32 s8, s5  }
0xe: {  	s5 =	sadd.s32 s6, s9;
	s9 =	smax.u32 s10, $0x1;
	s10 =	sadd.s32 $0x4000, s7  }
0xf: {  	s11 =	sadd.s32 $0x8000, s7;
	s13 =	sadd.s32 $0x10000, s7;
	s19 =	sshrl.u32 s7, $0x3  }
0x10: {  	v0 =	vimm.f32 $0.0e+00;
	s6 =	sadd.s32 $0x51600, s12;
	s8 =	sadd.s32 $0x83600, s8;
	s12 =	sadd.s32 $0xC000, s7  }
.LBB2_1:
0x11: {  	[tilespmem:s3], [sflag:$0x1] =	stream.linear.gather [hbm4b:s5+s3], $0x2780, $0x38;
	[tilespmem:$0x1D000] =	vst v63  }
0x12: {  	_ =	swait.ge [sflag:s14], $0x2780  }
0x13: {  	[sflag:s14] =	ssyncset.done $0x0  }
0x14: {  	[sflag:s14] =	ssyncadd.s32 $0xFFFFD880  }
0x15: {  	[tilespmem:s15], [sflag:$0x1] =	stream.linear.gather [hbm4b:s6+s3], $0x2780, $0x38;
	[tilespmem:$0x1D000] =	vst v63  }
0x16: {  	_ =	swait.ge [sflag:s14], $0x2780  }
0x17: {  	[sflag:s14] =	ssyncset.done $0x0  }
0x18: {  	s21 =	simm.s32 $0x0;
	s22 =	simm.s32 $0x200;
	[sflag:s14] =	ssyncadd.s32 $0xFFFFD880  }
.LBB2_2:
0x19: {  	p0 =	sne.s32 s22, $0xFE00;
	[tilespmem:s21+$0x5070] =	vst v0  }
0x1a: {  	[tilespmem:s21+$0x5000] =	vst v0  }
0x1b: {  	[tilespmem:s21+$0x5010] =	vst v0  }
.Ltmp0:
0x1c: {  	[tilespmem:s21+$0x5020] =	vst v0;
	(pc) =	sbr.rel @p0 .LBB2_2-.Ltmp0, $4  }
0x1d: {  	[tilespmem:s21+$0x5030] =	vst v0  }
0x1e: {  	[tilespmem:s21+$0x5040] =	vst v0  }
0x1f: {  	[tilespmem:s21+$0x5050] =	vst v0  }
0x20: {  	[tilespmem:s21+$0x5060] =	vst v0;
	s21 =	sshra.s32 s22, $0x2;
	s22 =	sadd.s32 $0x200, s22  }
0x21: {  	[tilespmem:s21+$0x5070] =	vst v0  }
0x22: {  	[tilespmem:s21+$0x5000] =	vst v0  }
0x23: {  	[tilespmem:s21+$0x5010] =	vst v0  }
0x24: {  	[tilespmem:s21+$0x5020] =	vst v0  }
0x25: {  	[tilespmem:s21+$0x5030] =	vst v0  }
0x26: {  	[tilespmem:s21+$0x5040] =	vst v0  }
0x27: {  	[tilespmem:s21+$0x5050] =	vst v0  }
0x28: {  	[tilespmem:s21+$0x5060] =	vst v0  }
0x29: {  	[spmem:s7] =	stream.linear.scatter [tilespmem:s16], [sflag:$0x1], $0x4000, $0x38;
	[tilespmem:$0x1D000] =	vst v63  }
0x2a: {  	_ =	swait.ge [sflag:s14], $0x4000  }
0x2b: {  	[sflag:s14] =	ssyncset.done $0x0  }
0x2c: {  	[sflag:s14] =	ssyncadd.s32 $0xFFFFC000  }
0x2d: {  	[spmem:s10] =	stream.linear.scatter [tilespmem:s16], [sflag:$0x1], $0x4000, $0x38;
	[tilespmem:$0x1D000] =	vst v63  }
0x2e: {  	_ =	swait.ge [sflag:s14], $0x4000  }
0x2f: {  	[sflag:s14] =	ssyncset.done $0x0  }
0x30: {  	[sflag:s14] =	ssyncadd.s32 $0xFFFFC000  }
0x31: {  	[spmem:s11] =	stream.linear.scatter [tilespmem:s16], [sflag:$0x1], $0x4000, $0x38;
	[tilespmem:$0x1D000] =	vst v63  }
0x32: {  	_ =	swait.ge [sflag:s14], $0x4000  }
0x33: {  	[sflag:s14] =	ssyncset.done $0x0  }
0x34: {  	[sflag:s14] =	ssyncadd.s32 $0xFFFFC000  }
0x35: {  	[spmem:s12] =	stream.linear.scatter [tilespmem:s16], [sflag:$0x1], $0x4000, $0x38;
	[tilespmem:$0x1D000] =	vst v63  }
0x36: {  	_ =	swait.ge [sflag:s14], $0x4000  }
0x37: {  	[sflag:s14] =	ssyncset.done $0x0  }
0x38: {  	[sflag:s14] =	ssyncadd.s32 $0xFFFFC000  }
0x39: {  	[spmem:s13] =	stream.linear.scatter [tilespmem:s16], [sflag:$0x1], $0x4000, $0x38;
	[tilespmem:$0x1D000] =	vst v63  }
0x3a: {  	_ =	swait.ge [sflag:s14], $0x4000  }
0x3b: {  	[sflag:s14] =	ssyncset.done $0x0  }
0x3c: {  	[sflag:s14] =	ssyncadd.s32 $0xFFFFC000  }
0x3d: {  	s30 =	simm.s32 $0x2800;
	[bflag:$0x0] =	sbarrier.arrive $0xFFFF  }
0x3e: {  	[tilespmem:s16], [sflag:$0x1] =	stream.indirect.gather [hbm4b:s4+s17], $0x80, s30, s17, $0xb8;
	[tilespmem:$0x1D000] =	vst v63  }
0x3f: {  	_ =	swait.ge [sflag:s14], $0x4000  }
0x40: {  	[sflag:s14] =	ssyncset.done $0x0  }
0x41: {  	s31 =	simm.s32 $0x0;
	[sflag:s14] =	ssyncadd.s32 $0xFFFFC000  }
0x42: {  	[spmem:s1] =	stream.indirect.scatter.add.f32 [tilespmem:s16], [sflag:$0x1], $0x80, s31, s17, $0xb8;
	[tilespmem:$0x1D000] =	vst v63  }
0x43: {  	_ =	swait.ge [sflag:s14], $0x4000  }
0x44: {  	s22 =	simm.s32 $0x400;
	s21 =	simm.s32 $0x80;
	[sflag:s14] =	ssyncset.done $0x0  }
.LBB2_4:
0x45: {  	s23 =	sadd.s32 $0x2800, s21  }
0x46: {  	[sflag:s14] =	ssyncadd.s32 $0xFFFFC000;
	s24 =	smov.u32 s22;
	s25 =	sadd.s32 $0x200, s22  }
0x47: {  	[tilespmem:s16], [sflag:$0x1] =	stream.indirect.gather [hbm4b:s4+s17], $0x80, s23, s17, $0xb8;
	[tilespmem:$0x1D000] =	vst v63  }
0x48: {  	p0 =	sne.s32 s22, $0x9C00;
	_ =	swait.ge [sflag:s14], $0x4000  }
.Ltmp1:
0x49: {  	[sflag:s14] =	ssyncset.done $0x0;
	(pc) =	sbr.rel @p0 .LBB2_4-.Ltmp1, $4  }
0x4a: {  	[sflag:s14] =	ssyncadd.s32 $0xFFFFC000  }
0x4b: {  	[spmem:s1] =	stream.indirect.scatter.add.f32 [tilespmem:s16], [sflag:$0x1], $0x80, s21, s17, $0xb8;
	[tilespmem:$0x1D000] =	vst v63  }
0x4c: {  	_ =	swait.ge [sflag:s14], $0x4000  }
0x4d: {  	s22 =	smov.u32 s25;
	s21 =	sshra.s32 s24, $0x2;
	[sflag:s14] =	ssyncset.done $0x0  }
0x4e: {  	s22 =	sadd.s32 $0x2800, s21;
	[sflag:s14] =	ssyncadd.s32 $0xFFFFC000  }
0x4f: {  	[tilespmem:s16], [sflag:$0x1] =	stream.indirect.gather [hbm4b:s4+s17], $0x80, s22, s17, $0xb8;
	[tilespmem:$0x1D000] =	vst v63  }
0x50: {  	_ =	swait.ge [sflag:s14], $0x4000  }
0x51: {  	[sflag:s14] =	ssyncset.done $0x0  }
0x52: {  	[sflag:s14] =	ssyncadd.s32 $0xFFFFC000  }
0x53: {  	[spmem:s1] =	stream.indirect.scatter.add.f32 [tilespmem:s16], [sflag:$0x1], $0x80, s21, s17, $0xb8;
	[tilespmem:$0x1D000] =	vst v63  }
0x54: {  	_ =	swait.ge [sflag:s14], $0x4000  }
0x55: {  	s20 =	sadd.s32 $0x1, s20;
	[sflag:s14] =	ssyncset.done $0x0  }
0x56: {  	p0 =	sne.s32 s20, s9;
	[sflag:s14] =	ssyncadd.s32 $0xFFFFC000  }
.Ltmp2:
0x57: {  	[bflag:$0x0] =	sbarrier.arrive $0xFFFF;
	(pc) =	sbr.rel @p0 .LBB2_1-.Ltmp2, $4  }
0x58: {  	[hbm:s8], [sflag:s18] =	dma.local [spmem:s19], $0x2800  }
0x59: {  	_ =	swait.ge [sflag:s14], $0x2800  }
0x5a: {  	[sflag:s14] =	ssyncset.done $0x0  }
0x5b: {  	[sflag:s14] =	ssyncadd.s32 $0xFFFFD800  }
0x5c: {  	_ =	sfence.sel $0x180000  }
0x5d: {  	[bflag:$0x0] =	sbarrier.arrive $0xFFFF  }
0x5e: {  	p0 =	sne.s32 s2, $0x0;
	_ =	strace $0x9000004A  }
0x5f: {  	s0 =	sadd.s32 @!p0 $0x100000, s0;
	[bflag:$0x2] =	sbarrier.arrive $0xFFFF  }
0x60: {  	[sflag:s0] =	ssyncadd.tile.s32 @!p0 $0x1;
	_ =	shalt  }
.Lfunc_end2:
_tile_overlayer_lowered:
.L_overlay_start_2:
0x61: {  	(tag) =	ssettag $0x2  }
0x62: {  	s0 =	rddreg [dreg:$0x0];
	s2 =	stileid.u32  }
0x63: {  	s1 =	rddreg [dreg:$0x1];
	p0 =	sne.s32 s2, $0x0  }
0x64: {  	s3 =	rddreg [dreg:$0x2];
	[bflag:$0x3] =	sbarrier.arrive $0xFFFF;
	s2 =	simm.s32 @!p0 $0x1C01  }
0x65: {  	[timem:s3], [sflag:s2] =	dma.local @!p0 [hbm:s0], s1  }
0x66: {  	s0 =	simm.s32 @!p0 $0x1  }
0x67: {  	_ =	swait.ge @!p0 [sflag:s0], s1  }
0x68: {  	s1 =	ssub.s32 @!p0 $0x0, s1;
	[sflag:s0] =	ssyncset.done @!p0 $0x0  }
0x69: {  	[sflag:s0] =	ssyncadd.s32 @!p0 s1  }
0x6a: {  	[bflag:$0x3] =	sbarrier.arrive $0xFFFF  }
0x6b: {  	_ =	shalt  }

</sc_bundles>
